<compile_context>
chip_gen: v7x
topology: tpu7x:2x2x1
jax: 0.10.2.dev20260603
libtpu: 0.0.44.dev20260713+nightly
codegen_flags: <defaults>
</compile_context>

<pallas_src>
import functools

import jax
import jax.numpy as jnp
from jax import lax
from jax.experimental import pallas as pl
from jax.experimental.pallas import tpu as pltpu
from jax.experimental.pallas import tpu_sc as plsc

D = 768
NTOK = 2048
BATCH = 4
B = BATCH * NTOK

NC = 2
NS = 16
NW = NC * NS
PPW = NTOK // NW
C = 16
NCHUNK = BATCH * PPW // C
QPB = PPW // C
NBUF = 6

_mesh = plsc.VectorSubcoreMesh(core_axis_name="c", subcore_axis_name="s")


@functools.partial(
    pl.kernel,
    mesh=_mesh,
    out_type=jax.ShapeDtypeStruct((B, D), jnp.float32),
    scratch_types=[
        pltpu.VMEM((BATCH * PPW,), jnp.int32),
        pltpu.VMEM_SHARED((NS * PPW, D), jnp.float32),
    ] + [pltpu.VMEM((C, D), jnp.float32) for _ in range(NBUF)] + [
        pltpu.SemaphoreType.DMA,
        pltpu.SemaphoreType.DMA,
        pltpu.SemaphoreType.DMA,
        pltpu.SemaphoreType.DMA,
        pltpu.SemaphoreType.DMA,
    ],
)
def _emb_kernel(idx_hbm, table_hbm, pe_hbm, out_hbm,
                idx_v, pbuf, b0, b1, b2, b3, b4, b5,
                gsem, psem, osem, isem, ssem):
    sid = lax.axis_index("s")
    wid = sid * NC + lax.axis_index("c")
    p0 = wid * PPW
    sbase = sid * PPW
    bufs = [b0, b1, b2, b3, b4, b5]

    ih = [pltpu.async_copy(idx_hbm.at[b, pl.ds(p0, PPW)],
                           idx_v.at[pl.ds(b * PPW, PPW)], isem)
          for b in range(BATCH)]
    sh = pltpu.async_copy(pe_hbm.at[pl.ds(p0, PPW), :],
                          pbuf.at[pl.ds(sbase, PPW), :], ssem)

    def pe_rows(ci):
        return (ci % QPB) * C

    ph = [pltpu.async_copy(pe_hbm.at[pl.ds(p0 + pe_rows(ci), C), :],
                           bufs[ci], psem)
          for ci in range(4)]

    idx_waited = set()

    def gather_add(ci):
        seg = (ci * C) // PPW
        if seg not in idx_waited:
            ih[seg].wait()
            idx_waited.add(seg)
        return pltpu.async_copy(
            table_hbm.at[idx_v.at[pl.ds(ci * C, C)]],
            bufs[ci % NBUF], gsem, add=True)

    gh = []
    for k in range(3):
        ph[k].wait()
        gh.append(gather_add(k))
    stage_done = False
    oh = []
    for ci in range(NCHUNK):
        if ci + 4 < NCHUNK:
            if ci - 2 >= 0:
                oh[ci - 2].wait()
            if not stage_done:
                sh.wait()
                stage_done = True
            ph.append(pltpu.async_copy(
                pbuf.at[pl.ds(sbase + pe_rows(ci + 4), C), :],
                bufs[(ci + 4) % NBUF], psem))
        if ci + 3 < NCHUNK:
            ph[ci + 3].wait()
            gh.append(gather_add(ci + 3))
        gh[ci].wait()
        b = ci // QPB
        oh.append(pltpu.async_copy(
            bufs[ci % NBUF],
            out_hbm.at[pl.ds(b * NTOK + p0 + pe_rows(ci), C), :], osem))
    for hh in oh[NCHUNK - 6:]:
        hh.wait()


def kernel(x, embed_weight, positional_encoding):
    out = _emb_kernel(x.astype(jnp.int32), embed_weight, positional_encoding)
    return out.reshape(x.shape[0], x.shape[1], D)

# --- scband reference (transcript-rebuilt; emitter-appended) ---
"""Pipeline reference for scband-clip-embedding-1254130451154 (READ-ONLY COPY).

The authoritative reference and input builder live on the scoring server;
editing this copy changes nothing except your own understanding.
"""

import jax, jax.numpy as jnp
import numpy as np

VOCAB_SIZE = 100000
EMB_DIM = 768
N_TOKEN = 2048
BATCH = 4

def setup_inputs(seed: int = 0) -> dict:
    key = jax.random.key(seed)
    k_x, k_tab = jax.random.split(key)
    x = jax.random.randint(k_x, (BATCH, N_TOKEN), 0, VOCAB_SIZE, dtype=jnp.int64 if jax.config.jax_enable_x64 else jnp.int32)
    embed_weight = jax.random.normal(k_tab, (VOCAB_SIZE, EMB_DIM), dtype=jnp.float32) * 0.02
    positional_encoding = jnp.zeros((N_TOKEN, EMB_DIM), dtype=jnp.float32)
    return {"x": x, "embed_weight": embed_weight, "positional_encoding": positional_encoding}

def reference(x, embed_weight, positional_encoding):
    # nn.Embedding lookup -> gather rows of table
    emb = jnp.take(embed_weight, x, axis=0)  # [B, n_token, emb_dim]
    # add learned positional encoding (broadcast over batch)
    return emb + positional_encoding

if __name__ == "__main__":
    import jax
    _d = setup_inputs()
    print(jax.jit(kernel)(*tuple(_d.values())))

</pallas_src>

<mosaic_0001>
#map = affine_map<(d0, d1) -> (0, 0)>
module attributes {stable_mosaic.version = 14 : i64} {
  func.func @_emb_kernel(%arg0: i32, %arg1: i32, %arg2: memref<4x2048xi32, #tpu.memory_space<hbm>>, %arg3: memref<100000x768xf32, #tpu.memory_space<hbm>>, %arg4: memref<2048x768xf32, #tpu.memory_space<hbm>>, %arg5: memref<8192x768xf32, #tpu.memory_space<hbm>>, %arg6: memref<256xi32, #tpu.memory_space<vmem>>, %arg7: memref<1024x768xf32, #tpu.memory_space<vmem_shared>>, %arg8: memref<16x768xf32, #tpu.memory_space<vmem>>, %arg9: memref<16x768xf32, #tpu.memory_space<vmem>>, %arg10: memref<16x768xf32, #tpu.memory_space<vmem>>, %arg11: memref<16x768xf32, #tpu.memory_space<vmem>>, %arg12: memref<16x768xf32, #tpu.memory_space<vmem>>, %arg13: memref<16x768xf32, #tpu.memory_space<vmem>>, %arg14: memref<!tpu.dma_semaphore, #tpu.memory_space<semaphore_mem>>, %arg15: memref<!tpu.dma_semaphore, #tpu.memory_space<semaphore_mem>>, %arg16: memref<!tpu.dma_semaphore, #tpu.memory_space<semaphore_mem>>, %arg17: memref<!tpu.dma_semaphore, #tpu.memory_space<semaphore_mem>>, %arg18: memref<!tpu.dma_semaphore, #tpu.memory_space<semaphore_mem>>) attributes {dimension_semantics = [#tpu.dimension_semantics<core_parallel>, #tpu.dimension_semantics<subcore_parallel>], iteration_bounds = array<i64: 2, 16>, scalar_prefetch = 0 : i64, scratch_operands = 13 : i64, tpu.core_type = #tpu.core_type<sc_vector_subcore>, window_params = [{transform_indices = #map}, {transform_indices = #map}, {transform_indices = #map}, {transform_indices = #map}]} {
    %mul3A = arith.constant 2 : i32
    %mul3A_0 = arith.muli %arg1, %mul3A : i32
    %add3A = arith.addi %mul3A_0, %arg0 : i32
    %mul3A_1 = arith.constant 64 : i32
    %mul3A_2 = arith.muli %add3A, %mul3A_1 : i32
    %mul3A_3 = arith.constant 64 : i32
    %mul3A_4 = arith.muli %arg1, %mul3A_3 : i32
    %dma_start3A = arith.constant 0 : i32
    %dma_start3A_5 = arith.constant 0 : i32
    %dma_start3A_6 = tpu.memref_slice %arg6[%dma_start3A_5] : memref<256xi32, #tpu.memory_space<vmem>> -> memref<64xi32, #tpu.memory_space<vmem>>
    %dma_start3A_7 = tpu.memref_slice %arg2[%dma_start3A, %mul3A_2] : memref<4x2048xi32, #tpu.memory_space<hbm>> -> memref<1x64xi32, #tpu.memory_space<hbm>>
    %dma_start3A_8 = tpu.memref_squeeze %dma_start3A_7 : memref<1x64xi32, #tpu.memory_space<hbm>> -> memref<64xi32, #tpu.memory_space<hbm>>
    %dma_start3A_9 = arith.constant 0 : i32
    %dma_start3A_10 = tpu.memref_slice %arg6[%dma_start3A_9] : memref<256xi32, #tpu.memory_space<vmem>> -> memref<64xi32, #tpu.memory_space<vmem>>
    %dma_start3A_11 = tpu.memref_slice %arg2[%dma_start3A, %mul3A_2] : memref<4x2048xi32, #tpu.memory_space<hbm>> -> memref<1x64xi32, #tpu.memory_space<hbm>>
    %dma_start3A_12 = tpu.memref_squeeze %dma_start3A_11 : memref<1x64xi32, #tpu.memory_space<hbm>> -> memref<64xi32, #tpu.memory_space<hbm>>
    tpu.enqueue_dma source(%dma_start3A_12 : memref<64xi32, #tpu.memory_space<hbm>>) target(%dma_start3A_10 : memref<64xi32, #tpu.memory_space<vmem>>) target_semaphore(%arg17 : memref<!tpu.dma_semaphore, #tpu.memory_space<semaphore_mem>>)
    %dma_start3A_13 = arith.constant 1 : i32
    %dma_start3A_14 = arith.constant 64 : i32
    %dma_start3A_15 = tpu.memref_slice %arg6[%dma_start3A_14] : memref<256xi32, #tpu.memory_space<vmem>> -> memref<64xi32, #tpu.memory_space<vmem>>
    %dma_start3A_16 = tpu.memref_slice %arg2[%dma_start3A_13, %mul3A_2] : memref<4x2048xi32, #tpu.memory_space<hbm>> -> memref<1x64xi32, #tpu.memory_space<hbm>>
    %dma_start3A_17 = tpu.memref_squeeze %dma_start3A_16 : memref<1x64xi32, #tpu.memory_space<hbm>> -> memref<64xi32, #tpu.memory_space<hbm>>
    %dma_start3A_18 = arith.constant 64 : i32
    %dma_start3A_19 = tpu.memref_slice %arg6[%dma_start3A_18] : memref<256xi32, #tpu.memory_space<vmem>> -> memref<64xi32, #tpu.memory_space<vmem>>
    %dma_start3A_20 = tpu.memref_slice %arg2[%dma_start3A_13, %mul3A_2] : memref<4x2048xi32, #tpu.memory_space<hbm>> -> memref<1x64xi32, #tpu.memory_space<hbm>>
    %dma_start3A_21 = tpu.memref_squeeze %dma_start3A_20 : memref<1x64xi32, #tpu.memory_space<hbm>> -> memref<64xi32, #tpu.memory_space<hbm>>
    tpu.enqueue_dma source(%dma_start3A_21 : memref<64xi32, #tpu.memory_space<hbm>>) target(%dma_start3A_19 : memref<64xi32, #tpu.memory_space<vmem>>) target_semaphore(%arg17 : memref<!tpu.dma_semaphore, #tpu.memory_space<semaphore_mem>>)
    %dma_start3A_22 = arith.constant 2 : i32
    %dma_start3A_23 = arith.constant 128 : i32
    %dma_start3A_24 = tpu.memref_slice %arg6[%dma_start3A_23] : memref<256xi32, #tpu.memory_space<vmem>> -> memref<64xi32, #tpu.memory_space<vmem>>
    %dma_start3A_25 = tpu.memref_slice %arg2[%dma_start3A_22, %mul3A_2] : memref<4x2048xi32, #tpu.memory_space<hbm>> -> memref<1x64xi32, #tpu.memory_space<hbm>>
    %dma_start3A_26 = tpu.memref_squeeze %dma_start3A_25 : memref<1x64xi32, #tpu.memory_space<hbm>> -> memref<64xi32, #tpu.memory_space<hbm>>
    %dma_start3A_27 = arith.constant 128 : i32
    %dma_start3A_28 = tpu.memref_slice %arg6[%dma_start3A_27] : memref<256xi32, #tpu.memory_space<vmem>> -> memref<64xi32, #tpu.memory_space<vmem>>
    %dma_start3A_29 = tpu.memref_slice %arg2[%dma_start3A_22, %mul3A_2] : memref<4x2048xi32, #tpu.memory_space<hbm>> -> memref<1x64xi32, #tpu.memory_space<hbm>>
    %dma_start3A_30 = tpu.memref_squeeze %dma_start3A_29 : memref<1x64xi32, #tpu.memory_space<hbm>> -> memref<64xi32, #tpu.memory_space<hbm>>
    tpu.enqueue_dma source(%dma_start3A_30 : memref<64xi32, #tpu.memory_space<hbm>>) target(%dma_start3A_28 : memref<64xi32, #tpu.memory_space<vmem>>) target_semaphore(%arg17 : memref<!tpu.dma_semaphore, #tpu.memory_space<semaphore_mem>>)
    %dma_start3A_31 = arith.constant 3 : i32
    %dma_start3A_32 = arith.constant 192 : i32
    %dma_start3A_33 = tpu.memref_slice %arg6[%dma_start3A_32] : memref<256xi32, #tpu.memory_space<vmem>> -> memref<64xi32, #tpu.memory_space<vmem>>
    %dma_start3A_34 = tpu.memref_slice %arg2[%dma_start3A_31, %mul3A_2] : memref<4x2048xi32, #tpu.memory_space<hbm>> -> memref<1x64xi32, #tpu.memory_space<hbm>>
    %dma_start3A_35 = tpu.memref_squeeze %dma_start3A_34 : memref<1x64xi32, #tpu.memory_space<hbm>> -> memref<64xi32, #tpu.memory_space<hbm>>
    %dma_start3A_36 = arith.constant 192 : i32
    %dma_start3A_37 = tpu.memref_slice %arg6[%dma_start3A_36] : memref<256xi32, #tpu.memory_space<vmem>> -> memref<64xi32, #tpu.memory_space<vmem>>
    %dma_start3A_38 = tpu.memref_slice %arg2[%dma_start3A_31, %mul3A_2] : memref<4x2048xi32, #tpu.memory_space<hbm>> -> memref<1x64xi32, #tpu.memory_space<hbm>>
    %dma_start3A_39 = tpu.memref_squeeze %dma_start3A_38 : memref<1x64xi32, #tpu.memory_space<hbm>> -> memref<64xi32, #tpu.memory_space<hbm>>
    tpu.enqueue_dma source(%dma_start3A_39 : memref<64xi32, #tpu.memory_space<hbm>>) target(%dma_start3A_37 : memref<64xi32, #tpu.memory_space<vmem>>) target_semaphore(%arg17 : memref<!tpu.dma_semaphore, #tpu.memory_space<semaphore_mem>>)
    %dma_start3A_40 = arith.constant 0 : i32
    %dma_start3A_41 = tpu.memref_slice %arg7[%mul3A_4, %dma_start3A_40] : memref<1024x768xf32, #tpu.memory_space<vmem_shared>> -> memref<64x768xf32, #tpu.memory_space<vmem_shared>>
    %dma_start3A_42 = arith.constant 0 : i32
    %dma_start3A_43 = tpu.memref_slice %arg4[%mul3A_2, %dma_start3A_42] : memref<2048x768xf32, #tpu.memory_space<hbm>> -> memref<64x768xf32, #tpu.memory_space<hbm>>
    tpu.enqueue_dma source(%dma_start3A_43 : memref<64x768xf32, #tpu.memory_space<hbm>>) target(%dma_start3A_41 : memref<64x768xf32, #tpu.memory_space<vmem_shared>>) target_semaphore(%arg18 : memref<!tpu.dma_semaphore, #tpu.memory_space<semaphore_mem>>)
    %add3A_44 = arith.constant 0 : i32
    %add3A_45 = arith.addi %mul3A_2, %add3A_44 : i32
    %dma_start3A_46 = arith.constant 0 : i32
    %dma_start3A_47 = tpu.memref_slice %arg4[%add3A_45, %dma_start3A_46] : memref<2048x768xf32, #tpu.memory_space<hbm>> -> memref<16x768xf32, #tpu.memory_space<hbm>>
    %dma_start3A_48 = arith.constant 0 : i32
    %dma_start3A_49 = tpu.memref_slice %arg4[%add3A_45, %dma_start3A_48] : memref<2048x768xf32, #tpu.memory_space<hbm>> -> memref<16x768xf32, #tpu.memory_space<hbm>>
    tpu.enqueue_dma source(%dma_start3A_49 : memref<16x768xf32, #tpu.memory_space<hbm>>) target(%arg8 : memref<16x768xf32, #tpu.memory_space<vmem>>) target_semaphore(%arg15 : memref<!tpu.dma_semaphore, #tpu.memory_space<semaphore_mem>>)
    %add3A_50 = arith.constant 16 : i32
    %add3A_51 = arith.addi %mul3A_2, %add3A_50 : i32
    %dma_start3A_52 = arith.constant 0 : i32
    %dma_start3A_53 = tpu.memref_slice %arg4[%add3A_51, %dma_start3A_52] : memref<2048x768xf32, #tpu.memory_space<hbm>> -> memref<16x768xf32, #tpu.memory_space<hbm>>
    %dma_start3A_54 = arith.constant 0 : i32
    %dma_start3A_55 = tpu.memref_slice %arg4[%add3A_51, %dma_start3A_54] : memref<2048x768xf32, #tpu.memory_space<hbm>> -> memref<16x768xf32, #tpu.memory_space<hbm>>
    tpu.enqueue_dma source(%dma_start3A_55 : memref<16x768xf32, #tpu.memory_space<hbm>>) target(%arg9 : memref<16x768xf32, #tpu.memory_space<vmem>>) target_semaphore(%arg15 : memref<!tpu.dma_semaphore, #tpu.memory_space<semaphore_mem>>)
    %add3A_56 = arith.constant 32 : i32
    %add3A_57 = arith.addi %mul3A_2, %add3A_56 : i32
    %dma_start3A_58 = arith.constant 0 : i32
    %dma_start3A_59 = tpu.memref_slice %arg4[%add3A_57, %dma_start3A_58] : memref<2048x768xf32, #tpu.memory_space<hbm>> -> memref<16x768xf32, #tpu.memory_space<hbm>>
    %dma_start3A_60 = arith.constant 0 : i32
    %dma_start3A_61 = tpu.memref_slice %arg4[%add3A_57, %dma_start3A_60] : memref<2048x768xf32, #tpu.memory_space<hbm>> -> memref<16x768xf32, #tpu.memory_space<hbm>>
    tpu.enqueue_dma source(%dma_start3A_61 : memref<16x768xf32, #tpu.memory_space<hbm>>) target(%arg10 : memref<16x768xf32, #tpu.memory_space<vmem>>) target_semaphore(%arg15 : memref<!tpu.dma_semaphore, #tpu.memory_space<semaphore_mem>>)
    %add3A_62 = arith.constant 48 : i32
    %add3A_63 = arith.addi %mul3A_2, %add3A_62 : i32
    %dma_start3A_64 = arith.constant 0 : i32
    %dma_start3A_65 = tpu.memref_slice %arg4[%add3A_63, %dma_start3A_64] : memref<2048x768xf32, #tpu.memory_space<hbm>> -> memref<16x768xf32, #tpu.memory_space<hbm>>
    %dma_start3A_66 = arith.constant 0 : i32
    %dma_start3A_67 = tpu.memref_slice %arg4[%add3A_63, %dma_start3A_66] : memref<2048x768xf32, #tpu.memory_space<hbm>> -> memref<16x768xf32, #tpu.memory_space<hbm>>
    tpu.enqueue_dma source(%dma_start3A_67 : memref<16x768xf32, #tpu.memory_space<hbm>>) target(%arg11 : memref<16x768xf32, #tpu.memory_space<vmem>>) target_semaphore(%arg15 : memref<!tpu.dma_semaphore, #tpu.memory_space<semaphore_mem>>)
    %dma_wait3A = arith.constant 0 : i32
    %dma_wait3A_68 = tpu.memref_slice %arg4[%add3A_45, %dma_wait3A] : memref<2048x768xf32, #tpu.memory_space<hbm>> -> memref<16x768xf32, #tpu.memory_space<hbm>>
    %dma_wait3A_69 = arith.constant 0 : i32
    %dma_wait3A_70 = tpu.memref_slice %arg4[%add3A_45, %dma_wait3A_69] : memref<2048x768xf32, #tpu.memory_space<hbm>> -> memref<16x768xf32, #tpu.memory_space<hbm>>
    tpu.wait_dma2 semaphore(%arg15 : memref<!tpu.dma_semaphore, #tpu.memory_space<semaphore_mem>>) src(%dma_wait3A_70 : memref<16x768xf32, #tpu.memory_space<hbm>>) dst(%arg8 : memref<16x768xf32, #tpu.memory_space<vmem>>)
    %dma_wait3A_71 = arith.constant 0 : i32
    %dma_wait3A_72 = arith.constant 0 : i32
    %dma_wait3A_73 = tpu.memref_slice %arg6[%dma_wait3A_72] : memref<256xi32, #tpu.memory_space<vmem>> -> memref<64xi32, #tpu.memory_space<vmem>>
    %dma_wait3A_74 = tpu.memref_slice %arg2[%dma_wait3A_71, %mul3A_2] : memref<4x2048xi32, #tpu.memory_space<hbm>> -> memref<1x64xi32, #tpu.memory_space<hbm>>
    %dma_wait3A_75 = tpu.memref_squeeze %dma_wait3A_74 : memref<1x64xi32, #tpu.memory_space<hbm>> -> memref<64xi32, #tpu.memory_space<hbm>>
    %dma_wait3A_76 = arith.constant 0 : i32
    %dma_wait3A_77 = tpu.memref_slice %arg6[%dma_wait3A_76] : memref<256xi32, #tpu.memory_space<vmem>> -> memref<64xi32, #tpu.memory_space<vmem>>
    %dma_wait3A_78 = tpu.memref_slice %arg2[%dma_wait3A_71, %mul3A_2] : memref<4x2048xi32, #tpu.memory_space<hbm>> -> memref<1x64xi32, #tpu.memory_space<hbm>>
    %dma_wait3A_79 = tpu.memref_squeeze %dma_wait3A_78 : memref<1x64xi32, #tpu.memory_space<hbm>> -> memref<64xi32, #tpu.memory_space<hbm>>
    tpu.wait_dma2 semaphore(%arg17 : memref<!tpu.dma_semaphore, #tpu.memory_space<semaphore_mem>>) src(%dma_wait3A_79 : memref<64xi32, #tpu.memory_space<hbm>>) dst(%dma_wait3A_77 : memref<64xi32, #tpu.memory_space<vmem>>)
    %dma_start3A_80 = arith.constant 0 : i32
    %dma_start3A_81 = tpu.memref_slice %arg6[%dma_start3A_80] : memref<256xi32, #tpu.memory_space<vmem>> -> memref<16xi32, #tpu.memory_space<vmem>>
    %dma_start3A_82 = arith.constant 0 : i32
    %dma_start3A_83 = arith.constant 0 : i32
    %dma_start3A_84 = tpu.memref_slice %arg3[%dma_start3A_82, %dma_start3A_83] : memref<100000x768xf32, #tpu.memory_space<hbm>> -> memref<100000x768xf32, #tpu.memory_space<hbm>>
    tpu.enqueue_indirect_dma source(%dma_start3A_84 : memref<100000x768xf32, #tpu.memory_space<hbm>>) target(%arg8 : memref<16x768xf32, #tpu.memory_space<vmem>>) offsets(%dma_start3A_81 : memref<16xi32, #tpu.memory_space<vmem>>) semaphore(%arg14 : memref<!tpu.dma_semaphore, #tpu.memory_space<semaphore_mem>>) {add = true}
    %dma_wait3A_85 = arith.constant 0 : i32
    %dma_wait3A_86 = tpu.memref_slice %arg4[%add3A_51, %dma_wait3A_85] : memref<2048x768xf32, #tpu.memory_space<hbm>> -> memref<16x768xf32, #tpu.memory_space<hbm>>
    %dma_wait3A_87 = arith.constant 0 : i32
    %dma_wait3A_88 = tpu.memref_slice %arg4[%add3A_51, %dma_wait3A_87] : memref<2048x768xf32, #tpu.memory_space<hbm>> -> memref<16x768xf32, #tpu.memory_space<hbm>>
    tpu.wait_dma2 semaphore(%arg15 : memref<!tpu.dma_semaphore, #tpu.memory_space<semaphore_mem>>) src(%dma_wait3A_88 : memref<16x768xf32, #tpu.memory_space<hbm>>) dst(%arg9 : memref<16x768xf32, #tpu.memory_space<vmem>>)
    %dma_start3A_89 = arith.constant 16 : i32
    %dma_start3A_90 = tpu.memref_slice %arg6[%dma_start3A_89] : memref<256xi32, #tpu.memory_space<vmem>> -> memref<16xi32, #tpu.memory_space<vmem>>
    %dma_start3A_91 = arith.constant 0 : i32
    %dma_start3A_92 = arith.constant 0 : i32
    %dma_start3A_93 = tpu.memref_slice %arg3[%dma_start3A_91, %dma_start3A_92] : memref<100000x768xf32, #tpu.memory_space<hbm>> -> memref<100000x768xf32, #tpu.memory_space<hbm>>
    tpu.enqueue_indirect_dma source(%dma_start3A_93 : memref<100000x768xf32, #tpu.memory_space<hbm>>) target(%arg9 : memref<16x768xf32, #tpu.memory_space<vmem>>) offsets(%dma_start3A_90 : memref<16xi32, #tpu.memory_space<vmem>>) semaphore(%arg14 : memref<!tpu.dma_semaphore, #tpu.memory_space<semaphore_mem>>) {add = true}
    %dma_wait3A_94 = arith.constant 0 : i32
    %dma_wait3A_95 = tpu.memref_slice %arg4[%add3A_57, %dma_wait3A_94] : memref<2048x768xf32, #tpu.memory_space<hbm>> -> memref<16x768xf32, #tpu.memory_space<hbm>>
    %dma_wait3A_96 = arith.constant 0 : i32
    %dma_wait3A_97 = tpu.memref_slice %arg4[%add3A_57, %dma_wait3A_96] : memref<2048x768xf32, #tpu.memory_space<hbm>> -> memref<16x768xf32, #tpu.memory_space<hbm>>
    tpu.wait_dma2 semaphore(%arg15 : memref<!tpu.dma_semaphore, #tpu.memory_space<semaphore_mem>>) src(%dma_wait3A_97 : memref<16x768xf32, #tpu.memory_space<hbm>>) dst(%arg10 : memref<16x768xf32, #tpu.memory_space<vmem>>)
    %dma_start3A_98 = arith.constant 32 : i32
    %dma_start3A_99 = tpu.memref_slice %arg6[%dma_start3A_98] : memref<256xi32, #tpu.memory_space<vmem>> -> memref<16xi32, #tpu.memory_space<vmem>>
    %dma_start3A_100 = arith.constant 0 : i32
    %dma_start3A_101 = arith.constant 0 : i32
    %dma_start3A_102 = tpu.memref_slice %arg3[%dma_start3A_100, %dma_start3A_101] : memref<100000x768xf32, #tpu.memory_space<hbm>> -> memref<100000x768xf32, #tpu.memory_space<hbm>>
    tpu.enqueue_indirect_dma source(%dma_start3A_102 : memref<100000x768xf32, #tpu.memory_space<hbm>>) target(%arg10 : memref<16x768xf32, #tpu.memory_space<vmem>>) offsets(%dma_start3A_99 : memref<16xi32, #tpu.memory_space<vmem>>) semaphore(%arg14 : memref<!tpu.dma_semaphore, #tpu.memory_space<semaphore_mem>>) {add = true}
    %dma_wait3A_103 = arith.constant 0 : i32
    %dma_wait3A_104 = tpu.memref_slice %arg7[%mul3A_4, %dma_wait3A_103] : memref<1024x768xf32, #tpu.memory_space<vmem_shared>> -> memref<64x768xf32, #tpu.memory_space<vmem_shared>>
    %dma_wait3A_105 = arith.constant 0 : i32
    %dma_wait3A_106 = tpu.memref_slice %arg4[%mul3A_2, %dma_wait3A_105] : memref<2048x768xf32, #tpu.memory_space<hbm>> -> memref<64x768xf32, #tpu.memory_space<hbm>>
    tpu.wait_dma2 semaphore(%arg18 : memref<!tpu.dma_semaphore, #tpu.memory_space<semaphore_mem>>) src(%dma_wait3A_106 : memref<64x768xf32, #tpu.memory_space<hbm>>) dst(%dma_wait3A_104 : memref<64x768xf32, #tpu.memory_space<vmem_shared>>)
    %add3A_107 = arith.constant 0 : i32
    %add3A_108 = arith.addi %mul3A_4, %add3A_107 : i32
    %dma_start3A_109 = arith.constant 0 : i32
    %dma_start3A_110 = tpu.memref_slice %arg7[%add3A_108, %dma_start3A_109] : memref<1024x768xf32, #tpu.memory_space<vmem_shared>> -> memref<16x768xf32, #tpu.memory_space<vmem_shared>>
    %dma_start3A_111 = arith.constant 0 : i32
    %dma_start3A_112 = tpu.memref_slice %arg7[%add3A_108, %dma_start3A_111] : memref<1024x768xf32, #tpu.memory_space<vmem_shared>> -> memref<16x768xf32, #tpu.memory_space<vmem_shared>>
    tpu.enqueue_dma source(%dma_start3A_112 : memref<16x768xf32, #tpu.memory_space<vmem_shared>>) target(%arg12 : memref<16x768xf32, #tpu.memory_space<vmem>>) target_semaphore(%arg15 : memref<!tpu.dma_semaphore, #tpu.memory_space<semaphore_mem>>)
    %dma_wait3A_113 = arith.constant 0 : i32
    %dma_wait3A_114 = tpu.memref_slice %arg4[%add3A_63, %dma_wait3A_113] : memref<2048x768xf32, #tpu.memory_space<hbm>> -> memref<16x768xf32, #tpu.memory_space<hbm>>
    %dma_wait3A_115 = arith.constant 0 : i32
    %dma_wait3A_116 = tpu.memref_slice %arg4[%add3A_63, %dma_wait3A_115] : memref<2048x768xf32, #tpu.memory_space<hbm>> -> memref<16x768xf32, #tpu.memory_space<hbm>>
    tpu.wait_dma2 semaphore(%arg15 : memref<!tpu.dma_semaphore, #tpu.memory_space<semaphore_mem>>) src(%dma_wait3A_116 : memref<16x768xf32, #tpu.memory_space<hbm>>) dst(%arg11 : memref<16x768xf32, #tpu.memory_space<vmem>>)
    %dma_start3A_117 = arith.constant 48 : i32
    %dma_start3A_118 = tpu.memref_slice %arg6[%dma_start3A_117] : memref<256xi32, #tpu.memory_space<vmem>> -> memref<16xi32, #tpu.memory_space<vmem>>
    %dma_start3A_119 = arith.constant 0 : i32
    %dma_start3A_120 = arith.constant 0 : i32
    %dma_start3A_121 = tpu.memref_slice %arg3[%dma_start3A_119, %dma_start3A_120] : memref<100000x768xf32, #tpu.memory_space<hbm>> -> memref<100000x768xf32, #tpu.memory_space<hbm>>
    tpu.enqueue_indirect_dma source(%dma_start3A_121 : memref<100000x768xf32, #tpu.memory_space<hbm>>) target(%arg11 : memref<16x768xf32, #tpu.memory_space<vmem>>) offsets(%dma_start3A_118 : memref<16xi32, #tpu.memory_space<vmem>>) semaphore(%arg14 : memref<!tpu.dma_semaphore, #tpu.memory_space<semaphore_mem>>) {add = true}
    %dma_wait3A_122 = arith.constant 0 : i32
    %dma_wait3A_123 = tpu.memref_slice %arg6[%dma_wait3A_122] : memref<256xi32, #tpu.memory_space<vmem>> -> memref<16xi32, #tpu.memory_space<vmem>>
    %dma_wait3A_124 = arith.constant 0 : i32
    %dma_wait3A_125 = arith.constant 0 : i32
    %dma_wait3A_126 = tpu.memref_slice %arg3[%dma_wait3A_124, %dma_wait3A_125] : memref<100000x768xf32, #tpu.memory_space<hbm>> -> memref<100000x768xf32, #tpu.memory_space<hbm>>
    tpu.wait_indirect_dma semaphore(%arg14 : memref<!tpu.dma_semaphore, #tpu.memory_space<semaphore_mem>>) src(%dma_wait3A_126 : memref<100000x768xf32, #tpu.memory_space<hbm>>) dst(%arg8 : memref<16x768xf32, #tpu.memory_space<vmem>>)
    %add3A_127 = arith.constant 0 : i32
    %add3A_128 = arith.addi %add3A_127, %mul3A_2 : i32
    %add3A_129 = arith.constant 0 : i32
    %add3A_130 = arith.addi %add3A_128, %add3A_129 : i32
    %dma_start3A_131 = arith.constant 0 : i32
    %dma_start3A_132 = tpu.memref_slice %arg5[%add3A_130, %dma_start3A_131] : memref<8192x768xf32, #tpu.memory_space<hbm>> -> memref<16x768xf32, #tpu.memory_space<hbm>>
    %dma_start3A_133 = arith.constant 0 : i32
    %dma_start3A_134 = tpu.memref_slice %arg5[%add3A_130, %dma_start3A_133] : memref<8192x768xf32, #tpu.memory_space<hbm>> -> memref<16x768xf32, #tpu.memory_space<hbm>>
    tpu.enqueue_dma source(%arg8 : memref<16x768xf32, #tpu.memory_space<vmem>>) target(%dma_start3A_134 : memref<16x768xf32, #tpu.memory_space<hbm>>) target_semaphore(%arg16 : memref<!tpu.dma_semaphore, #tpu.memory_space<semaphore_mem>>)
    %add3A_135 = arith.constant 16 : i32
    %add3A_136 = arith.addi %mul3A_4, %add3A_135 : i32
    %dma_start3A_137 = arith.constant 0 : i32
    %dma_start3A_138 = tpu.memref_slice %arg7[%add3A_136, %dma_start3A_137] : memref<1024x768xf32, #tpu.memory_space<vmem_shared>> -> memref<16x768xf32, #tpu.memory_space<vmem_shared>>
    %dma_start3A_139 = arith.constant 0 : i32
    %dma_start3A_140 = tpu.memref_slice %arg7[%add3A_136, %dma_start3A_139] : memref<1024x768xf32, #tpu.memory_space<vmem_shared>> -> memref<16x768xf32, #tpu.memory_space<vmem_shared>>
    tpu.enqueue_dma source(%dma_start3A_140 : memref<16x768xf32, #tpu.memory_space<vmem_shared>>) target(%arg13 : memref<16x768xf32, #tpu.memory_space<vmem>>) target_semaphore(%arg15 : memref<!tpu.dma_semaphore, #tpu.memory_space<semaphore_mem>>)
    %dma_wait3A_141 = arith.constant 0 : i32
    %dma_wait3A_142 = tpu.memref_slice %arg7[%add3A_108, %dma_wait3A_141] : memref<1024x768xf32, #tpu.memory_space<vmem_shared>> -> memref<16x768xf32, #tpu.memory_space<vmem_shared>>
    %dma_wait3A_143 = arith.constant 0 : i32
    %dma_wait3A_144 = tpu.memref_slice %arg7[%add3A_108, %dma_wait3A_143] : memref<1024x768xf32, #tpu.memory_space<vmem_shared>> -> memref<16x768xf32, #tpu.memory_space<vmem_shared>>
    tpu.wait_dma2 semaphore(%arg15 : memref<!tpu.dma_semaphore, #tpu.memory_space<semaphore_mem>>) src(%dma_wait3A_144 : memref<16x768xf32, #tpu.memory_space<vmem_shared>>) dst(%arg12 : memref<16x768xf32, #tpu.memory_space<vmem>>)
    %dma_wait3A_145 = arith.constant 1 : i32
    %dma_wait3A_146 = arith.constant 64 : i32
    %dma_wait3A_147 = tpu.memref_slice %arg6[%dma_wait3A_146] : memref<256xi32, #tpu.memory_space<vmem>> -> memref<64xi32, #tpu.memory_space<vmem>>
    %dma_wait3A_148 = tpu.memref_slice %arg2[%dma_wait3A_145, %mul3A_2] : memref<4x2048xi32, #tpu.memory_space<hbm>> -> memref<1x64xi32, #tpu.memory_space<hbm>>
    %dma_wait3A_149 = tpu.memref_squeeze %dma_wait3A_148 : memref<1x64xi32, #tpu.memory_space<hbm>> -> memref<64xi32, #tpu.memory_space<hbm>>
    %dma_wait3A_150 = arith.constant 64 : i32
    %dma_wait3A_151 = tpu.memref_slice %arg6[%dma_wait3A_150] : memref<256xi32, #tpu.memory_space<vmem>> -> memref<64xi32, #tpu.memory_space<vmem>>
    %dma_wait3A_152 = tpu.memref_slice %arg2[%dma_wait3A_145, %mul3A_2] : memref<4x2048xi32, #tpu.memory_space<hbm>> -> memref<1x64xi32, #tpu.memory_space<hbm>>
    %dma_wait3A_153 = tpu.memref_squeeze %dma_wait3A_152 : memref<1x64xi32, #tpu.memory_space<hbm>> -> memref<64xi32, #tpu.memory_space<hbm>>
    tpu.wait_dma2 semaphore(%arg17 : memref<!tpu.dma_semaphore, #tpu.memory_space<semaphore_mem>>) src(%dma_wait3A_153 : memref<64xi32, #tpu.memory_space<hbm>>) dst(%dma_wait3A_151 : memref<64xi32, #tpu.memory_space<vmem>>)
    %dma_start3A_154 = arith.constant 64 : i32
    %dma_start3A_155 = tpu.memref_slice %arg6[%dma_start3A_154] : memref<256xi32, #tpu.memory_space<vmem>> -> memref<16xi32, #tpu.memory_space<vmem>>
    %dma_start3A_156 = arith.constant 0 : i32
    %dma_start3A_157 = arith.constant 0 : i32
    %dma_start3A_158 = tpu.memref_slice %arg3[%dma_start3A_156, %dma_start3A_157] : memref<100000x768xf32, #tpu.memory_space<hbm>> -> memref<100000x768xf32, #tpu.memory_space<hbm>>
    tpu.enqueue_indirect_dma source(%dma_start3A_158 : memref<100000x768xf32, #tpu.memory_space<hbm>>) target(%arg12 : memref<16x768xf32, #tpu.memory_space<vmem>>) offsets(%dma_start3A_155 : memref<16xi32, #tpu.memory_space<vmem>>) semaphore(%arg14 : memref<!tpu.dma_semaphore, #tpu.memory_space<semaphore_mem>>) {add = true}
    %dma_wait3A_159 = arith.constant 16 : i32
    %dma_wait3A_160 = tpu.memref_slice %arg6[%dma_wait3A_159] : memref<256xi32, #tpu.memory_space<vmem>> -> memref<16xi32, #tpu.memory_space<vmem>>
    %dma_wait3A_161 = arith.constant 0 : i32
    %dma_wait3A_162 = arith.constant 0 : i32
    %dma_wait3A_163 = tpu.memref_slice %arg3[%dma_wait3A_161, %dma_wait3A_162] : memref<100000x768xf32, #tpu.memory_space<hbm>> -> memref<100000x768xf32, #tpu.memory_space<hbm>>
    tpu.wait_indirect_dma semaphore(%arg14 : memref<!tpu.dma_semaphore, #tpu.memory_space<semaphore_mem>>) src(%dma_wait3A_163 : memref<100000x768xf32, #tpu.memory_space<hbm>>) dst(%arg9 : memref<16x768xf32, #tpu.memory_space<vmem>>)
    %add3A_164 = arith.constant 0 : i32
    %add3A_165 = arith.addi %add3A_164, %mul3A_2 : i32
    %add3A_166 = arith.constant 16 : i32
    %add3A_167 = arith.addi %add3A_165, %add3A_166 : i32
    %dma_start3A_168 = arith.constant 0 : i32
    %dma_start3A_169 = tpu.memref_slice %arg5[%add3A_167, %dma_start3A_168] : memref<8192x768xf32, #tpu.memory_space<hbm>> -> memref<16x768xf32, #tpu.memory_space<hbm>>
    %dma_start3A_170 = arith.constant 0 : i32
    %dma_start3A_171 = tpu.memref_slice %arg5[%add3A_167, %dma_start3A_170] : memref<8192x768xf32, #tpu.memory_space<hbm>> -> memref<16x768xf32, #tpu.memory_space<hbm>>
    tpu.enqueue_dma source(%arg9 : memref<16x768xf32, #tpu.memory_space<vmem>>) target(%dma_start3A_171 : memref<16x768xf32, #tpu.memory_space<hbm>>) target_semaphore(%arg16 : memref<!tpu.dma_semaphore, #tpu.memory_space<semaphore_mem>>)
    %dma_wait3A_172 = arith.constant 0 : i32
    %dma_wait3A_173 = tpu.memref_slice %arg5[%add3A_130, %dma_wait3A_172] : memref<8192x768xf32, #tpu.memory_space<hbm>> -> memref<16x768xf32, #tpu.memory_space<hbm>>
    %dma_wait3A_174 = arith.constant 0 : i32
    %dma_wait3A_175 = tpu.memref_slice %arg5[%add3A_130, %dma_wait3A_174] : memref<8192x768xf32, #tpu.memory_space<hbm>> -> memref<16x768xf32, #tpu.memory_space<hbm>>
    tpu.wait_dma2 semaphore(%arg16 : memref<!tpu.dma_semaphore, #tpu.memory_space<semaphore_mem>>) src(%arg8 : memref<16x768xf32, #tpu.memory_space<vmem>>) dst(%dma_wait3A_175 : memref<16x768xf32, #tpu.memory_space<hbm>>)
    %add3A_176 = arith.constant 32 : i32
    %add3A_177 = arith.addi %mul3A_4, %add3A_176 : i32
    %dma_start3A_178 = arith.constant 0 : i32
    %dma_start3A_179 = tpu.memref_slice %arg7[%add3A_177, %dma_start3A_178] : memref<1024x768xf32, #tpu.memory_space<vmem_shared>> -> memref<16x768xf32, #tpu.memory_space<vmem_shared>>
    %dma_start3A_180 = arith.constant 0 : i32
    %dma_start3A_181 = tpu.memref_slice %arg7[%add3A_177, %dma_start3A_180] : memref<1024x768xf32, #tpu.memory_space<vmem_shared>> -> memref<16x768xf32, #tpu.memory_space<vmem_shared>>
    tpu.enqueue_dma source(%dma_start3A_181 : memref<16x768xf32, #tpu.memory_space<vmem_shared>>) target(%arg8 : memref<16x768xf32, #tpu.memory_space<vmem>>) target_semaphore(%arg15 : memref<!tpu.dma_semaphore, #tpu.memory_space<semaphore_mem>>)
    %dma_wait3A_182 = arith.constant 0 : i32
    %dma_wait3A_183 = tpu.memref_slice %arg7[%add3A_136, %dma_wait3A_182] : memref<1024x768xf32, #tpu.memory_space<vmem_shared>> -> memref<16x768xf32, #tpu.memory_space<vmem_shared>>
    %dma_wait3A_184 = arith.constant 0 : i32
    %dma_wait3A_185 = tpu.memref_slice %arg7[%add3A_136, %dma_wait3A_184] : memref<1024x768xf32, #tpu.memory_space<vmem_shared>> -> memref<16x768xf32, #tpu.memory_space<vmem_shared>>
    tpu.wait_dma2 semaphore(%arg15 : memref<!tpu.dma_semaphore, #tpu.memory_space<semaphore_mem>>) src(%dma_wait3A_185 : memref<16x768xf32, #tpu.memory_space<vmem_shared>>) dst(%arg13 : memref<16x768xf32, #tpu.memory_space<vmem>>)
    %dma_start3A_186 = arith.constant 80 : i32
    %dma_start3A_187 = tpu.memref_slice %arg6[%dma_start3A_186] : memref<256xi32, #tpu.memory_space<vmem>> -> memref<16xi32, #tpu.memory_space<vmem>>
    %dma_start3A_188 = arith.constant 0 : i32
    %dma_start3A_189 = arith.constant 0 : i32
    %dma_start3A_190 = tpu.memref_slice %arg3[%dma_start3A_188, %dma_start3A_189] : memref<100000x768xf32, #tpu.memory_space<hbm>> -> memref<100000x768xf32, #tpu.memory_space<hbm>>
    tpu.enqueue_indirect_dma source(%dma_start3A_190 : memref<100000x768xf32, #tpu.memory_space<hbm>>) target(%arg13 : memref<16x768xf32, #tpu.memory_space<vmem>>) offsets(%dma_start3A_187 : memref<16xi32, #tpu.memory_space<vmem>>) semaphore(%arg14 : memref<!tpu.dma_semaphore, #tpu.memory_space<semaphore_mem>>) {add = true}
    %dma_wait3A_191 = arith.constant 32 : i32
    %dma_wait3A_192 = tpu.memref_slice %arg6[%dma_wait3A_191] : memref<256xi32, #tpu.memory_space<vmem>> -> memref<16xi32, #tpu.memory_space<vmem>>
    %dma_wait3A_193 = arith.constant 0 : i32
    %dma_wait3A_194 = arith.constant 0 : i32
    %dma_wait3A_195 = tpu.memref_slice %arg3[%dma_wait3A_193, %dma_wait3A_194] : memref<100000x768xf32, #tpu.memory_space<hbm>> -> memref<100000x768xf32, #tpu.memory_space<hbm>>
    tpu.wait_indirect_dma semaphore(%arg14 : memref<!tpu.dma_semaphore, #tpu.memory_space<semaphore_mem>>) src(%dma_wait3A_195 : memref<100000x768xf32, #tpu.memory_space<hbm>>) dst(%arg10 : memref<16x768xf32, #tpu.memory_space<vmem>>)
    %add3A_196 = arith.constant 0 : i32
    %add3A_197 = arith.addi %add3A_196, %mul3A_2 : i32
    %add3A_198 = arith.constant 32 : i32
    %add3A_199 = arith.addi %add3A_197, %add3A_198 : i32
    %dma_start3A_200 = arith.constant 0 : i32
    %dma_start3A_201 = tpu.memref_slice %arg5[%add3A_199, %dma_start3A_200] : memref<8192x768xf32, #tpu.memory_space<hbm>> -> memref<16x768xf32, #tpu.memory_space<hbm>>
    %dma_start3A_202 = arith.constant 0 : i32
    %dma_start3A_203 = tpu.memref_slice %arg5[%add3A_199, %dma_start3A_202] : memref<8192x768xf32, #tpu.memory_space<hbm>> -> memref<16x768xf32, #tpu.memory_space<hbm>>
    tpu.enqueue_dma source(%arg10 : memref<16x768xf32, #tpu.memory_space<vmem>>) target(%dma_start3A_203 : memref<16x768xf32, #tpu.memory_space<hbm>>) target_semaphore(%arg16 : memref<!tpu.dma_semaphore, #tpu.memory_space<semaphore_mem>>)
    %dma_wait3A_204 = arith.constant 0 : i32
    %dma_wait3A_205 = tpu.memref_slice %arg5[%add3A_167, %dma_wait3A_204] : memref<8192x768xf32, #tpu.memory_space<hbm>> -> memref<16x768xf32, #tpu.memory_space<hbm>>
    %dma_wait3A_206 = arith.constant 0 : i32
    %dma_wait3A_207 = tpu.memref_slice %arg5[%add3A_167, %dma_wait3A_206] : memref<8192x768xf32, #tpu.memory_space<hbm>> -> memref<16x768xf32, #tpu.memory_space<hbm>>
    tpu.wait_dma2 semaphore(%arg16 : memref<!tpu.dma_semaphore, #tpu.memory_space<semaphore_mem>>) src(%arg9 : memref<16x768xf32, #tpu.memory_space<vmem>>) dst(%dma_wait3A_207 : memref<16x768xf32, #tpu.memory_space<hbm>>)
    %add3A_208 = arith.constant 48 : i32
    %add3A_209 = arith.addi %mul3A_4, %add3A_208 : i32
    %dma_start3A_210 = arith.constant 0 : i32
    %dma_start3A_211 = tpu.memref_slice %arg7[%add3A_209, %dma_start3A_210] : memref<1024x768xf32, #tpu.memory_space<vmem_shared>> -> memref<16x768xf32, #tpu.memory_space<vmem_shared>>
    %dma_start3A_212 = arith.constant 0 : i32
    %dma_start3A_213 = tpu.memref_slice %arg7[%add3A_209, %dma_start3A_212] : memref<1024x768xf32, #tpu.memory_space<vmem_shared>> -> memref<16x768xf32, #tpu.memory_space<vmem_shared>>
    tpu.enqueue_dma source(%dma_start3A_213 : memref<16x768xf32, #tpu.memory_space<vmem_shared>>) target(%arg9 : memref<16x768xf32, #tpu.memory_space<vmem>>) target_semaphore(%arg15 : memref<!tpu.dma_semaphore, #tpu.memory_space<semaphore_mem>>)
    %dma_wait3A_214 = arith.constant 0 : i32
    %dma_wait3A_215 = tpu.memref_slice %arg7[%add3A_177, %dma_wait3A_214] : memref<1024x768xf32, #tpu.memory_space<vmem_shared>> -> memref<16x768xf32, #tpu.memory_space<vmem_shared>>
    %dma_wait3A_216 = arith.constant 0 : i32
    %dma_wait3A_217 = tpu.memref_slice %arg7[%add3A_177, %dma_wait3A_216] : memref<1024x768xf32, #tpu.memory_space<vmem_shared>> -> memref<16x768xf32, #tpu.memory_space<vmem_shared>>
    tpu.wait_dma2 semaphore(%arg15 : memref<!tpu.dma_semaphore, #tpu.memory_space<semaphore_mem>>) src(%dma_wait3A_217 : memref<16x768xf32, #tpu.memory_space<vmem_shared>>) dst(%arg8 : memref<16x768xf32, #tpu.memory_space<vmem>>)
    %dma_start3A_218 = arith.constant 96 : i32
    %dma_start3A_219 = tpu.memref_slice %arg6[%dma_start3A_218] : memref<256xi32, #tpu.memory_space<vmem>> -> memref<16xi32, #tpu.memory_space<vmem>>
    %dma_start3A_220 = arith.constant 0 : i32
    %dma_start3A_221 = arith.constant 0 : i32
    %dma_start3A_222 = tpu.memref_slice %arg3[%dma_start3A_220, %dma_start3A_221] : memref<100000x768xf32, #tpu.memory_space<hbm>> -> memref<100000x768xf32, #tpu.memory_space<hbm>>
    tpu.enqueue_indirect_dma source(%dma_start3A_222 : memref<100000x768xf32, #tpu.memory_space<hbm>>) target(%arg8 : memref<16x768xf32, #tpu.memory_space<vmem>>) offsets(%dma_start3A_219 : memref<16xi32, #tpu.memory_space<vmem>>) semaphore(%arg14 : memref<!tpu.dma_semaphore, #tpu.memory_space<semaphore_mem>>) {add = true}
    %dma_wait3A_223 = arith.constant 48 : i32
    %dma_wait3A_224 = tpu.memref_slice %arg6[%dma_wait3A_223] : memref<256xi32, #tpu.memory_space<vmem>> -> memref<16xi32, #tpu.memory_space<vmem>>
    %dma_wait3A_225 = arith.constant 0 : i32
    %dma_wait3A_226 = arith.constant 0 : i32
    %dma_wait3A_227 = tpu.memref_slice %arg3[%dma_wait3A_225, %dma_wait3A_226] : memref<100000x768xf32, #tpu.memory_space<hbm>> -> memref<100000x768xf32, #tpu.memory_space<hbm>>
    tpu.wait_indirect_dma semaphore(%arg14 : memref<!tpu.dma_semaphore, #tpu.memory_space<semaphore_mem>>) src(%dma_wait3A_227 : memref<100000x768xf32, #tpu.memory_space<hbm>>) dst(%arg11 : memref<16x768xf32, #tpu.memory_space<vmem>>)
    %add3A_228 = arith.constant 0 : i32
    %add3A_229 = arith.addi %add3A_228, %mul3A_2 : i32
    %add3A_230 = arith.constant 48 : i32
    %add3A_231 = arith.addi %add3A_229, %add3A_230 : i32
    %dma_start3A_232 = arith.constant 0 : i32
    %dma_start3A_233 = tpu.memref_slice %arg5[%add3A_231, %dma_start3A_232] : memref<8192x768xf32, #tpu.memory_space<hbm>> -> memref<16x768xf32, #tpu.memory_space<hbm>>
    %dma_start3A_234 = arith.constant 0 : i32
    %dma_start3A_235 = tpu.memref_slice %arg5[%add3A_231, %dma_start3A_234] : memref<8192x768xf32, #tpu.memory_space<hbm>> -> memref<16x768xf32, #tpu.memory_space<hbm>>
    tpu.enqueue_dma source(%arg11 : memref<16x768xf32, #tpu.memory_space<vmem>>) target(%dma_start3A_235 : memref<16x768xf32, #tpu.memory_space<hbm>>) target_semaphore(%arg16 : memref<!tpu.dma_semaphore, #tpu.memory_space<semaphore_mem>>)
    %dma_wait3A_236 = arith.constant 0 : i32
    %dma_wait3A_237 = tpu.memref_slice %arg5[%add3A_199, %dma_wait3A_236] : memref<8192x768xf32, #tpu.memory_space<hbm>> -> memref<16x768xf32, #tpu.memory_space<hbm>>
    %dma_wait3A_238 = arith.constant 0 : i32
    %dma_wait3A_239 = tpu.memref_slice %arg5[%add3A_199, %dma_wait3A_238] : memref<8192x768xf32, #tpu.memory_space<hbm>> -> memref<16x768xf32, #tpu.memory_space<hbm>>
    tpu.wait_dma2 semaphore(%arg16 : memref<!tpu.dma_semaphore, #tpu.memory_space<semaphore_mem>>) src(%arg10 : memref<16x768xf32, #tpu.memory_space<vmem>>) dst(%dma_wait3A_239 : memref<16x768xf32, #tpu.memory_space<hbm>>)
    %add3A_240 = arith.constant 0 : i32
    %add3A_241 = arith.addi %mul3A_4, %add3A_240 : i32
    %dma_start3A_242 = arith.constant 0 : i32
    %dma_start3A_243 = tpu.memref_slice %arg7[%add3A_241, %dma_start3A_242] : memref<1024x768xf32, #tpu.memory_space<vmem_shared>> -> memref<16x768xf32, #tpu.memory_space<vmem_shared>>
    %dma_start3A_244 = arith.constant 0 : i32
    %dma_start3A_245 = tpu.memref_slice %arg7[%add3A_241, %dma_start3A_244] : memref<1024x768xf32, #tpu.memory_space<vmem_shared>> -> memref<16x768xf32, #tpu.memory_space<vmem_shared>>
    tpu.enqueue_dma source(%dma_start3A_245 : memref<16x768xf32, #tpu.memory_space<vmem_shared>>) target(%arg10 : memref<16x768xf32, #tpu.memory_space<vmem>>) target_semaphore(%arg15 : memref<!tpu.dma_semaphore, #tpu.memory_space<semaphore_mem>>)
    %dma_wait3A_246 = arith.constant 0 : i32
    %dma_wait3A_247 = tpu.memref_slice %arg7[%add3A_209, %dma_wait3A_246] : memref<1024x768xf32, #tpu.memory_space<vmem_shared>> -> memref<16x768xf32, #tpu.memory_space<vmem_shared>>
    %dma_wait3A_248 = arith.constant 0 : i32
    %dma_wait3A_249 = tpu.memref_slice %arg7[%add3A_209, %dma_wait3A_248] : memref<1024x768xf32, #tpu.memory_space<vmem_shared>> -> memref<16x768xf32, #tpu.memory_space<vmem_shared>>
    tpu.wait_dma2 semaphore(%arg15 : memref<!tpu.dma_semaphore, #tpu.memory_space<semaphore_mem>>) src(%dma_wait3A_249 : memref<16x768xf32, #tpu.memory_space<vmem_shared>>) dst(%arg9 : memref<16x768xf32, #tpu.memory_space<vmem>>)
    %dma_start3A_250 = arith.constant 112 : i32
    %dma_start3A_251 = tpu.memref_slice %arg6[%dma_start3A_250] : memref<256xi32, #tpu.memory_space<vmem>> -> memref<16xi32, #tpu.memory_space<vmem>>
    %dma_start3A_252 = arith.constant 0 : i32
    %dma_start3A_253 = arith.constant 0 : i32
    %dma_start3A_254 = tpu.memref_slice %arg3[%dma_start3A_252, %dma_start3A_253] : memref<100000x768xf32, #tpu.memory_space<hbm>> -> memref<100000x768xf32, #tpu.memory_space<hbm>>
    tpu.enqueue_indirect_dma source(%dma_start3A_254 : memref<100000x768xf32, #tpu.memory_space<hbm>>) target(%arg9 : memref<16x768xf32, #tpu.memory_space<vmem>>) offsets(%dma_start3A_251 : memref<16xi32, #tpu.memory_space<vmem>>) semaphore(%arg14 : memref<!tpu.dma_semaphore, #tpu.memory_space<semaphore_mem>>) {add = true}
    %dma_wait3A_255 = arith.constant 64 : i32
    %dma_wait3A_256 = tpu.memref_slice %arg6[%dma_wait3A_255] : memref<256xi32, #tpu.memory_space<vmem>> -> memref<16xi32, #tpu.memory_space<vmem>>
    %dma_wait3A_257 = arith.constant 0 : i32
    %dma_wait3A_258 = arith.constant 0 : i32
    %dma_wait3A_259 = tpu.memref_slice %arg3[%dma_wait3A_257, %dma_wait3A_258] : memref<100000x768xf32, #tpu.memory_space<hbm>> -> memref<100000x768xf32, #tpu.memory_space<hbm>>
    tpu.wait_indirect_dma semaphore(%arg14 : memref<!tpu.dma_semaphore, #tpu.memory_space<semaphore_mem>>) src(%dma_wait3A_259 : memref<100000x768xf32, #tpu.memory_space<hbm>>) dst(%arg12 : memref<16x768xf32, #tpu.memory_space<vmem>>)
    %add3A_260 = arith.constant 2048 : i32
    %add3A_261 = arith.addi %add3A_260, %mul3A_2 : i32
    %add3A_262 = arith.constant 0 : i32
    %add3A_263 = arith.addi %add3A_261, %add3A_262 : i32
    %dma_start3A_264 = arith.constant 0 : i32
    %dma_start3A_265 = tpu.memref_slice %arg5[%add3A_263, %dma_start3A_264] : memref<8192x768xf32, #tpu.memory_space<hbm>> -> memref<16x768xf32, #tpu.memory_space<hbm>>
    %dma_start3A_266 = arith.constant 0 : i32
    %dma_start3A_267 = tpu.memref_slice %arg5[%add3A_263, %dma_start3A_266] : memref<8192x768xf32, #tpu.memory_space<hbm>> -> memref<16x768xf32, #tpu.memory_space<hbm>>
    tpu.enqueue_dma source(%arg12 : memref<16x768xf32, #tpu.memory_space<vmem>>) target(%dma_start3A_267 : memref<16x768xf32, #tpu.memory_space<hbm>>) target_semaphore(%arg16 : memref<!tpu.dma_semaphore, #tpu.memory_space<semaphore_mem>>)
    %dma_wait3A_268 = arith.constant 0 : i32
    %dma_wait3A_269 = tpu.memref_slice %arg5[%add3A_231, %dma_wait3A_268] : memref<8192x768xf32, #tpu.memory_space<hbm>> -> memref<16x768xf32, #tpu.memory_space<hbm>>
    %dma_wait3A_270 = arith.constant 0 : i32
    %dma_wait3A_271 = tpu.memref_slice %arg5[%add3A_231, %dma_wait3A_270] : memref<8192x768xf32, #tpu.memory_space<hbm>> -> memref<16x768xf32, #tpu.memory_space<hbm>>
    tpu.wait_dma2 semaphore(%arg16 : memref<!tpu.dma_semaphore, #tpu.memory_space<semaphore_mem>>) src(%arg11 : memref<16x768xf32, #tpu.memory_space<vmem>>) dst(%dma_wait3A_271 : memref<16x768xf32, #tpu.memory_space<hbm>>)
    %add3A_272 = arith.constant 16 : i32
    %add3A_273 = arith.addi %mul3A_4, %add3A_272 : i32
    %dma_start3A_274 = arith.constant 0 : i32
    %dma_start3A_275 = tpu.memref_slice %arg7[%add3A_273, %dma_start3A_274] : memref<1024x768xf32, #tpu.memory_space<vmem_shared>> -> memref<16x768xf32, #tpu.memory_space<vmem_shared>>
    %dma_start3A_276 = arith.constant 0 : i32
    %dma_start3A_277 = tpu.memref_slice %arg7[%add3A_273, %dma_start3A_276] : memref<1024x768xf32, #tpu.memory_space<vmem_shared>> -> memref<16x768xf32, #tpu.memory_space<vmem_shared>>
    tpu.enqueue_dma source(%dma_start3A_277 : memref<16x768xf32, #tpu.memory_space<vmem_shared>>) target(%arg11 : memref<16x768xf32, #tpu.memory_space<vmem>>) target_semaphore(%arg15 : memref<!tpu.dma_semaphore, #tpu.memory_space<semaphore_mem>>)
    %dma_wait3A_278 = arith.constant 0 : i32
    %dma_wait3A_279 = tpu.memref_slice %arg7[%add3A_241, %dma_wait3A_278] : memref<1024x768xf32, #tpu.memory_space<vmem_shared>> -> memref<16x768xf32, #tpu.memory_space<vmem_shared>>
    %dma_wait3A_280 = arith.constant 0 : i32
    %dma_wait3A_281 = tpu.memref_slice %arg7[%add3A_241, %dma_wait3A_280] : memref<1024x768xf32, #tpu.memory_space<vmem_shared>> -> memref<16x768xf32, #tpu.memory_space<vmem_shared>>
    tpu.wait_dma2 semaphore(%arg15 : memref<!tpu.dma_semaphore, #tpu.memory_space<semaphore_mem>>) src(%dma_wait3A_281 : memref<16x768xf32, #tpu.memory_space<vmem_shared>>) dst(%arg10 : memref<16x768xf32, #tpu.memory_space<vmem>>)
    %dma_wait3A_282 = arith.constant 2 : i32
    %dma_wait3A_283 = arith.constant 128 : i32
    %dma_wait3A_284 = tpu.memref_slice %arg6[%dma_wait3A_283] : memref<256xi32, #tpu.memory_space<vmem>> -> memref<64xi32, #tpu.memory_space<vmem>>
    %dma_wait3A_285 = tpu.memref_slice %arg2[%dma_wait3A_282, %mul3A_2] : memref<4x2048xi32, #tpu.memory_space<hbm>> -> memref<1x64xi32, #tpu.memory_space<hbm>>
    %dma_wait3A_286 = tpu.memref_squeeze %dma_wait3A_285 : memref<1x64xi32, #tpu.memory_space<hbm>> -> memref<64xi32, #tpu.memory_space<hbm>>
    %dma_wait3A_287 = arith.constant 128 : i32
    %dma_wait3A_288 = tpu.memref_slice %arg6[%dma_wait3A_287] : memref<256xi32, #tpu.memory_space<vmem>> -> memref<64xi32, #tpu.memory_space<vmem>>
    %dma_wait3A_289 = tpu.memref_slice %arg2[%dma_wait3A_282, %mul3A_2] : memref<4x2048xi32, #tpu.memory_space<hbm>> -> memref<1x64xi32, #tpu.memory_space<hbm>>
    %dma_wait3A_290 = tpu.memref_squeeze %dma_wait3A_289 : memref<1x64xi32, #tpu.memory_space<hbm>> -> memref<64xi32, #tpu.memory_space<hbm>>
    tpu.wait_dma2 semaphore(%arg17 : memref<!tpu.dma_semaphore, #tpu.memory_space<semaphore_mem>>) src(%dma_wait3A_290 : memref<64xi32, #tpu.memory_space<hbm>>) dst(%dma_wait3A_288 : memref<64xi32, #tpu.memory_space<vmem>>)
    %dma_start3A_291 = arith.constant 128 : i32
    %dma_start3A_292 = tpu.memref_slice %arg6[%dma_start3A_291] : memref<256xi32, #tpu.memory_space<vmem>> -> memref<16xi32, #tpu.memory_space<vmem>>
    %dma_start3A_293 = arith.constant 0 : i32
    %dma_start3A_294 = arith.constant 0 : i32
    %dma_start3A_295 = tpu.memref_slice %arg3[%dma_start3A_293, %dma_start3A_294] : memref<100000x768xf32, #tpu.memory_space<hbm>> -> memref<100000x768xf32, #tpu.memory_space<hbm>>
    tpu.enqueue_indirect_dma source(%dma_start3A_295 : memref<100000x768xf32, #tpu.memory_space<hbm>>) target(%arg10 : memref<16x768xf32, #tpu.memory_space<vmem>>) offsets(%dma_start3A_292 : memref<16xi32, #tpu.memory_space<vmem>>) semaphore(%arg14 : memref<!tpu.dma_semaphore, #tpu.memory_space<semaphore_mem>>) {add = true}
    %dma_wait3A_296 = arith.constant 80 : i32
    %dma_wait3A_297 = tpu.memref_slice %arg6[%dma_wait3A_296] : memref<256xi32, #tpu.memory_space<vmem>> -> memref<16xi32, #tpu.memory_space<vmem>>
    %dma_wait3A_298 = arith.constant 0 : i32
    %dma_wait3A_299 = arith.constant 0 : i32
    %dma_wait3A_300 = tpu.memref_slice %arg3[%dma_wait3A_298, %dma_wait3A_299] : memref<100000x768xf32, #tpu.memory_space<hbm>> -> memref<100000x768xf32, #tpu.memory_space<hbm>>
    tpu.wait_indirect_dma semaphore(%arg14 : memref<!tpu.dma_semaphore, #tpu.memory_space<semaphore_mem>>) src(%dma_wait3A_300 : memref<100000x768xf32, #tpu.memory_space<hbm>>) dst(%arg13 : memref<16x768xf32, #tpu.memory_space<vmem>>)
    %add3A_301 = arith.constant 2048 : i32
    %add3A_302 = arith.addi %add3A_301, %mul3A_2 : i32
    %add3A_303 = arith.constant 16 : i32
    %add3A_304 = arith.addi %add3A_302, %add3A_303 : i32
    %dma_start3A_305 = arith.constant 0 : i32
    %dma_start3A_306 = tpu.memref_slice %arg5[%add3A_304, %dma_start3A_305] : memref<8192x768xf32, #tpu.memory_space<hbm>> -> memref<16x768xf32, #tpu.memory_space<hbm>>
    %dma_start3A_307 = arith.constant 0 : i32
    %dma_start3A_308 = tpu.memref_slice %arg5[%add3A_304, %dma_start3A_307] : memref<8192x768xf32, #tpu.memory_space<hbm>> -> memref<16x768xf32, #tpu.memory_space<hbm>>
    tpu.enqueue_dma source(%arg13 : memref<16x768xf32, #tpu.memory_space<vmem>>) target(%dma_start3A_308 : memref<16x768xf32, #tpu.memory_space<hbm>>) target_semaphore(%arg16 : memref<!tpu.dma_semaphore, #tpu.memory_space<semaphore_mem>>)
    %dma_wait3A_309 = arith.constant 0 : i32
    %dma_wait3A_310 = tpu.memref_slice %arg5[%add3A_263, %dma_wait3A_309] : memref<8192x768xf32, #tpu.memory_space<hbm>> -> memref<16x768xf32, #tpu.memory_space<hbm>>
    %dma_wait3A_311 = arith.constant 0 : i32
    %dma_wait3A_312 = tpu.memref_slice %arg5[%add3A_263, %dma_wait3A_311] : memref<8192x768xf32, #tpu.memory_space<hbm>> -> memref<16x768xf32, #tpu.memory_space<hbm>>
    tpu.wait_dma2 semaphore(%arg16 : memref<!tpu.dma_semaphore, #tpu.memory_space<semaphore_mem>>) src(%arg12 : memref<16x768xf32, #tpu.memory_space<vmem>>) dst(%dma_wait3A_312 : memref<16x768xf32, #tpu.memory_space<hbm>>)
    %add3A_313 = arith.constant 32 : i32
    %add3A_314 = arith.addi %mul3A_4, %add3A_313 : i32
    %dma_start3A_315 = arith.constant 0 : i32
    %dma_start3A_316 = tpu.memref_slice %arg7[%add3A_314, %dma_start3A_315] : memref<1024x768xf32, #tpu.memory_space<vmem_shared>> -> memref<16x768xf32, #tpu.memory_space<vmem_shared>>
    %dma_start3A_317 = arith.constant 0 : i32
    %dma_start3A_318 = tpu.memref_slice %arg7[%add3A_314, %dma_start3A_317] : memref<1024x768xf32, #tpu.memory_space<vmem_shared>> -> memref<16x768xf32, #tpu.memory_space<vmem_shared>>
    tpu.enqueue_dma source(%dma_start3A_318 : memref<16x768xf32, #tpu.memory_space<vmem_shared>>) target(%arg12 : memref<16x768xf32, #tpu.memory_space<vmem>>) target_semaphore(%arg15 : memref<!tpu.dma_semaphore, #tpu.memory_space<semaphore_mem>>)
    %dma_wait3A_319 = arith.constant 0 : i32
    %dma_wait3A_320 = tpu.memref_slice %arg7[%add3A_273, %dma_wait3A_319] : memref<1024x768xf32, #tpu.memory_space<vmem_shared>> -> memref<16x768xf32, #tpu.memory_space<vmem_shared>>
    %dma_wait3A_321 = arith.constant 0 : i32
    %dma_wait3A_322 = tpu.memref_slice %arg7[%add3A_273, %dma_wait3A_321] : memref<1024x768xf32, #tpu.memory_space<vmem_shared>> -> memref<16x768xf32, #tpu.memory_space<vmem_shared>>
    tpu.wait_dma2 semaphore(%arg15 : memref<!tpu.dma_semaphore, #tpu.memory_space<semaphore_mem>>) src(%dma_wait3A_322 : memref<16x768xf32, #tpu.memory_space<vmem_shared>>) dst(%arg11 : memref<16x768xf32, #tpu.memory_space<vmem>>)
    %dma_start3A_323 = arith.constant 144 : i32
    %dma_start3A_324 = tpu.memref_slice %arg6[%dma_start3A_323] : memref<256xi32, #tpu.memory_space<vmem>> -> memref<16xi32, #tpu.memory_space<vmem>>
    %dma_start3A_325 = arith.constant 0 : i32
    %dma_start3A_326 = arith.constant 0 : i32
    %dma_start3A_327 = tpu.memref_slice %arg3[%dma_start3A_325, %dma_start3A_326] : memref<100000x768xf32, #tpu.memory_space<hbm>> -> memref<100000x768xf32, #tpu.memory_space<hbm>>
    tpu.enqueue_indirect_dma source(%dma_start3A_327 : memref<100000x768xf32, #tpu.memory_space<hbm>>) target(%arg11 : memref<16x768xf32, #tpu.memory_space<vmem>>) offsets(%dma_start3A_324 : memref<16xi32, #tpu.memory_space<vmem>>) semaphore(%arg14 : memref<!tpu.dma_semaphore, #tpu.memory_space<semaphore_mem>>) {add = true}
    %dma_wait3A_328 = arith.constant 96 : i32
    %dma_wait3A_329 = tpu.memref_slice %arg6[%dma_wait3A_328] : memref<256xi32, #tpu.memory_space<vmem>> -> memref<16xi32, #tpu.memory_space<vmem>>
    %dma_wait3A_330 = arith.constant 0 : i32
    %dma_wait3A_331 = arith.constant 0 : i32
    %dma_wait3A_332 = tpu.memref_slice %arg3[%dma_wait3A_330, %dma_wait3A_331] : memref<100000x768xf32, #tpu.memory_space<hbm>> -> memref<100000x768xf32, #tpu.memory_space<hbm>>
    tpu.wait_indirect_dma semaphore(%arg14 : memref<!tpu.dma_semaphore, #tpu.memory_space<semaphore_mem>>) src(%dma_wait3A_332 : memref<100000x768xf32, #tpu.memory_space<hbm>>) dst(%arg8 : memref<16x768xf32, #tpu.memory_space<vmem>>)
    %add3A_333 = arith.constant 2048 : i32
    %add3A_334 = arith.addi %add3A_333, %mul3A_2 : i32
    %add3A_335 = arith.constant 32 : i32
    %add3A_336 = arith.addi %add3A_334, %add3A_335 : i32
    %dma_start3A_337 = arith.constant 0 : i32
    %dma_start3A_338 = tpu.memref_slice %arg5[%add3A_336, %dma_start3A_337] : memref<8192x768xf32, #tpu.memory_space<hbm>> -> memref<16x768xf32, #tpu.memory_space<hbm>>
    %dma_start3A_339 = arith.constant 0 : i32
    %dma_start3A_340 = tpu.memref_slice %arg5[%add3A_336, %dma_start3A_339] : memref<8192x768xf32, #tpu.memory_space<hbm>> -> memref<16x768xf32, #tpu.memory_space<hbm>>
    tpu.enqueue_dma source(%arg8 : memref<16x768xf32, #tpu.memory_space<vmem>>) target(%dma_start3A_340 : memref<16x768xf32, #tpu.memory_space<hbm>>) target_semaphore(%arg16 : memref<!tpu.dma_semaphore, #tpu.memory_space<semaphore_mem>>)
    %dma_wait3A_341 = arith.constant 0 : i32
    %dma_wait3A_342 = tpu.memref_slice %arg5[%add3A_304, %dma_wait3A_341] : memref<8192x768xf32, #tpu.memory_space<hbm>> -> memref<16x768xf32, #tpu.memory_space<hbm>>
    %dma_wait3A_343 = arith.constant 0 : i32
    %dma_wait3A_344 = tpu.memref_slice %arg5[%add3A_304, %dma_wait3A_343] : memref<8192x768xf32, #tpu.memory_space<hbm>> -> memref<16x768xf32, #tpu.memory_space<hbm>>
    tpu.wait_dma2 semaphore(%arg16 : memref<!tpu.dma_semaphore, #tpu.memory_space<semaphore_mem>>) src(%arg13 : memref<16x768xf32, #tpu.memory_space<vmem>>) dst(%dma_wait3A_344 : memref<16x768xf32, #tpu.memory_space<hbm>>)
    %add3A_345 = arith.constant 48 : i32
    %add3A_346 = arith.addi %mul3A_4, %add3A_345 : i32
    %dma_start3A_347 = arith.constant 0 : i32
    %dma_start3A_348 = tpu.memref_slice %arg7[%add3A_346, %dma_start3A_347] : memref<1024x768xf32, #tpu.memory_space<vmem_shared>> -> memref<16x768xf32, #tpu.memory_space<vmem_shared>>
    %dma_start3A_349 = arith.constant 0 : i32
    %dma_start3A_350 = tpu.memref_slice %arg7[%add3A_346, %dma_start3A_349] : memref<1024x768xf32, #tpu.memory_space<vmem_shared>> -> memref<16x768xf32, #tpu.memory_space<vmem_shared>>
    tpu.enqueue_dma source(%dma_start3A_350 : memref<16x768xf32, #tpu.memory_space<vmem_shared>>) target(%arg13 : memref<16x768xf32, #tpu.memory_space<vmem>>) target_semaphore(%arg15 : memref<!tpu.dma_semaphore, #tpu.memory_space<semaphore_mem>>)
    %dma_wait3A_351 = arith.constant 0 : i32
    %dma_wait3A_352 = tpu.memref_slice %arg7[%add3A_314, %dma_wait3A_351] : memref<1024x768xf32, #tpu.memory_space<vmem_shared>> -> memref<16x768xf32, #tpu.memory_space<vmem_shared>>
    %dma_wait3A_353 = arith.constant 0 : i32
    %dma_wait3A_354 = tpu.memref_slice %arg7[%add3A_314, %dma_wait3A_353] : memref<1024x768xf32, #tpu.memory_space<vmem_shared>> -> memref<16x768xf32, #tpu.memory_space<vmem_shared>>
    tpu.wait_dma2 semaphore(%arg15 : memref<!tpu.dma_semaphore, #tpu.memory_space<semaphore_mem>>) src(%dma_wait3A_354 : memref<16x768xf32, #tpu.memory_space<vmem_shared>>) dst(%arg12 : memref<16x768xf32, #tpu.memory_space<vmem>>)
    %dma_start3A_355 = arith.constant 160 : i32
    %dma_start3A_356 = tpu.memref_slice %arg6[%dma_start3A_355] : memref<256xi32, #tpu.memory_space<vmem>> -> memref<16xi32, #tpu.memory_space<vmem>>
    %dma_start3A_357 = arith.constant 0 : i32
    %dma_start3A_358 = arith.constant 0 : i32
    %dma_start3A_359 = tpu.memref_slice %arg3[%dma_start3A_357, %dma_start3A_358] : memref<100000x768xf32, #tpu.memory_space<hbm>> -> memref<100000x768xf32, #tpu.memory_space<hbm>>
    tpu.enqueue_indirect_dma source(%dma_start3A_359 : memref<100000x768xf32, #tpu.memory_space<hbm>>) target(%arg12 : memref<16x768xf32, #tpu.memory_space<vmem>>) offsets(%dma_start3A_356 : memref<16xi32, #tpu.memory_space<vmem>>) semaphore(%arg14 : memref<!tpu.dma_semaphore, #tpu.memory_space<semaphore_mem>>) {add = true}
    %dma_wait3A_360 = arith.constant 112 : i32
    %dma_wait3A_361 = tpu.memref_slice %arg6[%dma_wait3A_360] : memref<256xi32, #tpu.memory_space<vmem>> -> memref<16xi32, #tpu.memory_space<vmem>>
    %dma_wait3A_362 = arith.constant 0 : i32
    %dma_wait3A_363 = arith.constant 0 : i32
    %dma_wait3A_364 = tpu.memref_slice %arg3[%dma_wait3A_362, %dma_wait3A_363] : memref<100000x768xf32, #tpu.memory_space<hbm>> -> memref<100000x768xf32, #tpu.memory_space<hbm>>
    tpu.wait_indirect_dma semaphore(%arg14 : memref<!tpu.dma_semaphore, #tpu.memory_space<semaphore_mem>>) src(%dma_wait3A_364 : memref<100000x768xf32, #tpu.memory_space<hbm>>) dst(%arg9 : memref<16x768xf32, #tpu.memory_space<vmem>>)
    %add3A_365 = arith.constant 2048 : i32
    %add3A_366 = arith.addi %add3A_365, %mul3A_2 : i32
    %add3A_367 = arith.constant 48 : i32
    %add3A_368 = arith.addi %add3A_366, %add3A_367 : i32
    %dma_start3A_369 = arith.constant 0 : i32
    %dma_start3A_370 = tpu.memref_slice %arg5[%add3A_368, %dma_start3A_369] : memref<8192x768xf32, #tpu.memory_space<hbm>> -> memref<16x768xf32, #tpu.memory_space<hbm>>
    %dma_start3A_371 = arith.constant 0 : i32
    %dma_start3A_372 = tpu.memref_slice %arg5[%add3A_368, %dma_start3A_371] : memref<8192x768xf32, #tpu.memory_space<hbm>> -> memref<16x768xf32, #tpu.memory_space<hbm>>
    tpu.enqueue_dma source(%arg9 : memref<16x768xf32, #tpu.memory_space<vmem>>) target(%dma_start3A_372 : memref<16x768xf32, #tpu.memory_space<hbm>>) target_semaphore(%arg16 : memref<!tpu.dma_semaphore, #tpu.memory_space<semaphore_mem>>)
    %dma_wait3A_373 = arith.constant 0 : i32
    %dma_wait3A_374 = tpu.memref_slice %arg5[%add3A_336, %dma_wait3A_373] : memref<8192x768xf32, #tpu.memory_space<hbm>> -> memref<16x768xf32, #tpu.memory_space<hbm>>
    %dma_wait3A_375 = arith.constant 0 : i32
    %dma_wait3A_376 = tpu.memref_slice %arg5[%add3A_336, %dma_wait3A_375] : memref<8192x768xf32, #tpu.memory_space<hbm>> -> memref<16x768xf32, #tpu.memory_space<hbm>>
    tpu.wait_dma2 semaphore(%arg16 : memref<!tpu.dma_semaphore, #tpu.memory_space<semaphore_mem>>) src(%arg8 : memref<16x768xf32, #tpu.memory_space<vmem>>) dst(%dma_wait3A_376 : memref<16x768xf32, #tpu.memory_space<hbm>>)
    %add3A_377 = arith.constant 0 : i32
    %add3A_378 = arith.addi %mul3A_4, %add3A_377 : i32
    %dma_start3A_379 = arith.constant 0 : i32
    %dma_start3A_380 = tpu.memref_slice %arg7[%add3A_378, %dma_start3A_379] : memref<1024x768xf32, #tpu.memory_space<vmem_shared>> -> memref<16x768xf32, #tpu.memory_space<vmem_shared>>
    %dma_start3A_381 = arith.constant 0 : i32
    %dma_start3A_382 = tpu.memref_slice %arg7[%add3A_378, %dma_start3A_381] : memref<1024x768xf32, #tpu.memory_space<vmem_shared>> -> memref<16x768xf32, #tpu.memory_space<vmem_shared>>
    tpu.enqueue_dma source(%dma_start3A_382 : memref<16x768xf32, #tpu.memory_space<vmem_shared>>) target(%arg8 : memref<16x768xf32, #tpu.memory_space<vmem>>) target_semaphore(%arg15 : memref<!tpu.dma_semaphore, #tpu.memory_space<semaphore_mem>>)
    %dma_wait3A_383 = arith.constant 0 : i32
    %dma_wait3A_384 = tpu.memref_slice %arg7[%add3A_346, %dma_wait3A_383] : memref<1024x768xf32, #tpu.memory_space<vmem_shared>> -> memref<16x768xf32, #tpu.memory_space<vmem_shared>>
    %dma_wait3A_385 = arith.constant 0 : i32
    %dma_wait3A_386 = tpu.memref_slice %arg7[%add3A_346, %dma_wait3A_385] : memref<1024x768xf32, #tpu.memory_space<vmem_shared>> -> memref<16x768xf32, #tpu.memory_space<vmem_shared>>
    tpu.wait_dma2 semaphore(%arg15 : memref<!tpu.dma_semaphore, #tpu.memory_space<semaphore_mem>>) src(%dma_wait3A_386 : memref<16x768xf32, #tpu.memory_space<vmem_shared>>) dst(%arg13 : memref<16x768xf32, #tpu.memory_space<vmem>>)
    %dma_start3A_387 = arith.constant 176 : i32
    %dma_start3A_388 = tpu.memref_slice %arg6[%dma_start3A_387] : memref<256xi32, #tpu.memory_space<vmem>> -> memref<16xi32, #tpu.memory_space<vmem>>
    %dma_start3A_389 = arith.constant 0 : i32
    %dma_start3A_390 = arith.constant 0 : i32
    %dma_start3A_391 = tpu.memref_slice %arg3[%dma_start3A_389, %dma_start3A_390] : memref<100000x768xf32, #tpu.memory_space<hbm>> -> memref<100000x768xf32, #tpu.memory_space<hbm>>
    tpu.enqueue_indirect_dma source(%dma_start3A_391 : memref<100000x768xf32, #tpu.memory_space<hbm>>) target(%arg13 : memref<16x768xf32, #tpu.memory_space<vmem>>) offsets(%dma_start3A_388 : memref<16xi32, #tpu.memory_space<vmem>>) semaphore(%arg14 : memref<!tpu.dma_semaphore, #tpu.memory_space<semaphore_mem>>) {add = true}
    %dma_wait3A_392 = arith.constant 128 : i32
    %dma_wait3A_393 = tpu.memref_slice %arg6[%dma_wait3A_392] : memref<256xi32, #tpu.memory_space<vmem>> -> memref<16xi32, #tpu.memory_space<vmem>>
    %dma_wait3A_394 = arith.constant 0 : i32
    %dma_wait3A_395 = arith.constant 0 : i32
    %dma_wait3A_396 = tpu.memref_slice %arg3[%dma_wait3A_394, %dma_wait3A_395] : memref<100000x768xf32, #tpu.memory_space<hbm>> -> memref<100000x768xf32, #tpu.memory_space<hbm>>
    tpu.wait_indirect_dma semaphore(%arg14 : memref<!tpu.dma_semaphore, #tpu.memory_space<semaphore_mem>>) src(%dma_wait3A_396 : memref<100000x768xf32, #tpu.memory_space<hbm>>) dst(%arg10 : memref<16x768xf32, #tpu.memory_space<vmem>>)
    %add3A_397 = arith.constant 4096 : i32
    %add3A_398 = arith.addi %add3A_397, %mul3A_2 : i32
    %add3A_399 = arith.constant 0 : i32
    %add3A_400 = arith.addi %add3A_398, %add3A_399 : i32
    %dma_start3A_401 = arith.constant 0 : i32
    %dma_start3A_402 = tpu.memref_slice %arg5[%add3A_400, %dma_start3A_401] : memref<8192x768xf32, #tpu.memory_space<hbm>> -> memref<16x768xf32, #tpu.memory_space<hbm>>
    %dma_start3A_403 = arith.constant 0 : i32
    %dma_start3A_404 = tpu.memref_slice %arg5[%add3A_400, %dma_start3A_403] : memref<8192x768xf32, #tpu.memory_space<hbm>> -> memref<16x768xf32, #tpu.memory_space<hbm>>
    tpu.enqueue_dma source(%arg10 : memref<16x768xf32, #tpu.memory_space<vmem>>) target(%dma_start3A_404 : memref<16x768xf32, #tpu.memory_space<hbm>>) target_semaphore(%arg16 : memref<!tpu.dma_semaphore, #tpu.memory_space<semaphore_mem>>)
    %dma_wait3A_405 = arith.constant 0 : i32
    %dma_wait3A_406 = tpu.memref_slice %arg5[%add3A_368, %dma_wait3A_405] : memref<8192x768xf32, #tpu.memory_space<hbm>> -> memref<16x768xf32, #tpu.memory_space<hbm>>
    %dma_wait3A_407 = arith.constant 0 : i32
    %dma_wait3A_408 = tpu.memref_slice %arg5[%add3A_368, %dma_wait3A_407] : memref<8192x768xf32, #tpu.memory_space<hbm>> -> memref<16x768xf32, #tpu.memory_space<hbm>>
    tpu.wait_dma2 semaphore(%arg16 : memref<!tpu.dma_semaphore, #tpu.memory_space<semaphore_mem>>) src(%arg9 : memref<16x768xf32, #tpu.memory_space<vmem>>) dst(%dma_wait3A_408 : memref<16x768xf32, #tpu.memory_space<hbm>>)
    %add3A_409 = arith.constant 16 : i32
    %add3A_410 = arith.addi %mul3A_4, %add3A_409 : i32
    %dma_start3A_411 = arith.constant 0 : i32
    %dma_start3A_412 = tpu.memref_slice %arg7[%add3A_410, %dma_start3A_411] : memref<1024x768xf32, #tpu.memory_space<vmem_shared>> -> memref<16x768xf32, #tpu.memory_space<vmem_shared>>
    %dma_start3A_413 = arith.constant 0 : i32
    %dma_start3A_414 = tpu.memref_slice %arg7[%add3A_410, %dma_start3A_413] : memref<1024x768xf32, #tpu.memory_space<vmem_shared>> -> memref<16x768xf32, #tpu.memory_space<vmem_shared>>
    tpu.enqueue_dma source(%dma_start3A_414 : memref<16x768xf32, #tpu.memory_space<vmem_shared>>) target(%arg9 : memref<16x768xf32, #tpu.memory_space<vmem>>) target_semaphore(%arg15 : memref<!tpu.dma_semaphore, #tpu.memory_space<semaphore_mem>>)
    %dma_wait3A_415 = arith.constant 0 : i32
    %dma_wait3A_416 = tpu.memref_slice %arg7[%add3A_378, %dma_wait3A_415] : memref<1024x768xf32, #tpu.memory_space<vmem_shared>> -> memref<16x768xf32, #tpu.memory_space<vmem_shared>>
    %dma_wait3A_417 = arith.constant 0 : i32
    %dma_wait3A_418 = tpu.memref_slice %arg7[%add3A_378, %dma_wait3A_417] : memref<1024x768xf32, #tpu.memory_space<vmem_shared>> -> memref<16x768xf32, #tpu.memory_space<vmem_shared>>
    tpu.wait_dma2 semaphore(%arg15 : memref<!tpu.dma_semaphore, #tpu.memory_space<semaphore_mem>>) src(%dma_wait3A_418 : memref<16x768xf32, #tpu.memory_space<vmem_shared>>) dst(%arg8 : memref<16x768xf32, #tpu.memory_space<vmem>>)
    %dma_wait3A_419 = arith.constant 3 : i32
    %dma_wait3A_420 = arith.constant 192 : i32
    %dma_wait3A_421 = tpu.memref_slice %arg6[%dma_wait3A_420] : memref<256xi32, #tpu.memory_space<vmem>> -> memref<64xi32, #tpu.memory_space<vmem>>
    %dma_wait3A_422 = tpu.memref_slice %arg2[%dma_wait3A_419, %mul3A_2] : memref<4x2048xi32, #tpu.memory_space<hbm>> -> memref<1x64xi32, #tpu.memory_space<hbm>>
    %dma_wait3A_423 = tpu.memref_squeeze %dma_wait3A_422 : memref<1x64xi32, #tpu.memory_space<hbm>> -> memref<64xi32, #tpu.memory_space<hbm>>
    %dma_wait3A_424 = arith.constant 192 : i32
    %dma_wait3A_425 = tpu.memref_slice %arg6[%dma_wait3A_424] : memref<256xi32, #tpu.memory_space<vmem>> -> memref<64xi32, #tpu.memory_space<vmem>>
    %dma_wait3A_426 = tpu.memref_slice %arg2[%dma_wait3A_419, %mul3A_2] : memref<4x2048xi32, #tpu.memory_space<hbm>> -> memref<1x64xi32, #tpu.memory_space<hbm>>
    %dma_wait3A_427 = tpu.memref_squeeze %dma_wait3A_426 : memref<1x64xi32, #tpu.memory_space<hbm>> -> memref<64xi32, #tpu.memory_space<hbm>>
    tpu.wait_dma2 semaphore(%arg17 : memref<!tpu.dma_semaphore, #tpu.memory_space<semaphore_mem>>) src(%dma_wait3A_427 : memref<64xi32, #tpu.memory_space<hbm>>) dst(%dma_wait3A_425 : memref<64xi32, #tpu.memory_space<vmem>>)
    %dma_start3A_428 = arith.constant 192 : i32
    %dma_start3A_429 = tpu.memref_slice %arg6[%dma_start3A_428] : memref<256xi32, #tpu.memory_space<vmem>> -> memref<16xi32, #tpu.memory_space<vmem>>
    %dma_start3A_430 = arith.constant 0 : i32
    %dma_start3A_431 = arith.constant 0 : i32
    %dma_start3A_432 = tpu.memref_slice %arg3[%dma_start3A_430, %dma_start3A_431] : memref<100000x768xf32, #tpu.memory_space<hbm>> -> memref<100000x768xf32, #tpu.memory_space<hbm>>
    tpu.enqueue_indirect_dma source(%dma_start3A_432 : memref<100000x768xf32, #tpu.memory_space<hbm>>) target(%arg8 : memref<16x768xf32, #tpu.memory_space<vmem>>) offsets(%dma_start3A_429 : memref<16xi32, #tpu.memory_space<vmem>>) semaphore(%arg14 : memref<!tpu.dma_semaphore, #tpu.memory_space<semaphore_mem>>) {add = true}
    %dma_wait3A_433 = arith.constant 144 : i32
    %dma_wait3A_434 = tpu.memref_slice %arg6[%dma_wait3A_433] : memref<256xi32, #tpu.memory_space<vmem>> -> memref<16xi32, #tpu.memory_space<vmem>>
    %dma_wait3A_435 = arith.constant 0 : i32
    %dma_wait3A_436 = arith.constant 0 : i32
    %dma_wait3A_437 = tpu.memref_slice %arg3[%dma_wait3A_435, %dma_wait3A_436] : memref<100000x768xf32, #tpu.memory_space<hbm>> -> memref<100000x768xf32, #tpu.memory_space<hbm>>
    tpu.wait_indirect_dma semaphore(%arg14 : memref<!tpu.dma_semaphore, #tpu.memory_space<semaphore_mem>>) src(%dma_wait3A_437 : memref<100000x768xf32, #tpu.memory_space<hbm>>) dst(%arg11 : memref<16x768xf32, #tpu.memory_space<vmem>>)
    %add3A_438 = arith.constant 4096 : i32
    %add3A_439 = arith.addi %add3A_438, %mul3A_2 : i32
    %add3A_440 = arith.constant 16 : i32
    %add3A_441 = arith.addi %add3A_439, %add3A_440 : i32
    %dma_start3A_442 = arith.constant 0 : i32
    %dma_start3A_443 = tpu.memref_slice %arg5[%add3A_441, %dma_start3A_442] : memref<8192x768xf32, #tpu.memory_space<hbm>> -> memref<16x768xf32, #tpu.memory_space<hbm>>
    %dma_start3A_444 = arith.constant 0 : i32
    %dma_start3A_445 = tpu.memref_slice %arg5[%add3A_441, %dma_start3A_444] : memref<8192x768xf32, #tpu.memory_space<hbm>> -> memref<16x768xf32, #tpu.memory_space<hbm>>
    tpu.enqueue_dma source(%arg11 : memref<16x768xf32, #tpu.memory_space<vmem>>) target(%dma_start3A_445 : memref<16x768xf32, #tpu.memory_space<hbm>>) target_semaphore(%arg16 : memref<!tpu.dma_semaphore, #tpu.memory_space<semaphore_mem>>)
    %dma_wait3A_446 = arith.constant 0 : i32
    %dma_wait3A_447 = tpu.memref_slice %arg5[%add3A_400, %dma_wait3A_446] : memref<8192x768xf32, #tpu.memory_space<hbm>> -> memref<16x768xf32, #tpu.memory_space<hbm>>
    %dma_wait3A_448 = arith.constant 0 : i32
    %dma_wait3A_449 = tpu.memref_slice %arg5[%add3A_400, %dma_wait3A_448] : memref<8192x768xf32, #tpu.memory_space<hbm>> -> memref<16x768xf32, #tpu.memory_space<hbm>>
    tpu.wait_dma2 semaphore(%arg16 : memref<!tpu.dma_semaphore, #tpu.memory_space<semaphore_mem>>) src(%arg10 : memref<16x768xf32, #tpu.memory_space<vmem>>) dst(%dma_wait3A_449 : memref<16x768xf32, #tpu.memory_space<hbm>>)
    %add3A_450 = arith.constant 32 : i32
    %add3A_451 = arith.addi %mul3A_4, %add3A_450 : i32
    %dma_start3A_452 = arith.constant 0 : i32
    %dma_start3A_453 = tpu.memref_slice %arg7[%add3A_451, %dma_start3A_452] : memref<1024x768xf32, #tpu.memory_space<vmem_shared>> -> memref<16x768xf32, #tpu.memory_space<vmem_shared>>
    %dma_start3A_454 = arith.constant 0 : i32
    %dma_start3A_455 = tpu.memref_slice %arg7[%add3A_451, %dma_start3A_454] : memref<1024x768xf32, #tpu.memory_space<vmem_shared>> -> memref<16x768xf32, #tpu.memory_space<vmem_shared>>
    tpu.enqueue_dma source(%dma_start3A_455 : memref<16x768xf32, #tpu.memory_space<vmem_shared>>) target(%arg10 : memref<16x768xf32, #tpu.memory_space<vmem>>) target_semaphore(%arg15 : memref<!tpu.dma_semaphore, #tpu.memory_space<semaphore_mem>>)
    %dma_wait3A_456 = arith.constant 0 : i32
    %dma_wait3A_457 = tpu.memref_slice %arg7[%add3A_410, %dma_wait3A_456] : memref<1024x768xf32, #tpu.memory_space<vmem_shared>> -> memref<16x768xf32, #tpu.memory_space<vmem_shared>>
    %dma_wait3A_458 = arith.constant 0 : i32
    %dma_wait3A_459 = tpu.memref_slice %arg7[%add3A_410, %dma_wait3A_458] : memref<1024x768xf32, #tpu.memory_space<vmem_shared>> -> memref<16x768xf32, #tpu.memory_space<vmem_shared>>
    tpu.wait_dma2 semaphore(%arg15 : memref<!tpu.dma_semaphore, #tpu.memory_space<semaphore_mem>>) src(%dma_wait3A_459 : memref<16x768xf32, #tpu.memory_space<vmem_shared>>) dst(%arg9 : memref<16x768xf32, #tpu.memory_space<vmem>>)
    %dma_start3A_460 = arith.constant 208 : i32
    %dma_start3A_461 = tpu.memref_slice %arg6[%dma_start3A_460] : memref<256xi32, #tpu.memory_space<vmem>> -> memref<16xi32, #tpu.memory_space<vmem>>
    %dma_start3A_462 = arith.constant 0 : i32
    %dma_start3A_463 = arith.constant 0 : i32
    %dma_start3A_464 = tpu.memref_slice %arg3[%dma_start3A_462, %dma_start3A_463] : memref<100000x768xf32, #tpu.memory_space<hbm>> -> memref<100000x768xf32, #tpu.memory_space<hbm>>
    tpu.enqueue_indirect_dma source(%dma_start3A_464 : memref<100000x768xf32, #tpu.memory_space<hbm>>) target(%arg9 : memref<16x768xf32, #tpu.memory_space<vmem>>) offsets(%dma_start3A_461 : memref<16xi32, #tpu.memory_space<vmem>>) semaphore(%arg14 : memref<!tpu.dma_semaphore, #tpu.memory_space<semaphore_mem>>) {add = true}
    %dma_wait3A_465 = arith.constant 160 : i32
    %dma_wait3A_466 = tpu.memref_slice %arg6[%dma_wait3A_465] : memref<256xi32, #tpu.memory_space<vmem>> -> memref<16xi32, #tpu.memory_space<vmem>>
    %dma_wait3A_467 = arith.constant 0 : i32
    %dma_wait3A_468 = arith.constant 0 : i32
    %dma_wait3A_469 = tpu.memref_slice %arg3[%dma_wait3A_467, %dma_wait3A_468] : memref<100000x768xf32, #tpu.memory_space<hbm>> -> memref<100000x768xf32, #tpu.memory_space<hbm>>
    tpu.wait_indirect_dma semaphore(%arg14 : memref<!tpu.dma_semaphore, #tpu.memory_space<semaphore_mem>>) src(%dma_wait3A_469 : memref<100000x768xf32, #tpu.memory_space<hbm>>) dst(%arg12 : memref<16x768xf32, #tpu.memory_space<vmem>>)
    %add3A_470 = arith.constant 4096 : i32
    %add3A_471 = arith.addi %add3A_470, %mul3A_2 : i32
    %add3A_472 = arith.constant 32 : i32
    %add3A_473 = arith.addi %add3A_471, %add3A_472 : i32
    %dma_start3A_474 = arith.constant 0 : i32
    %dma_start3A_475 = tpu.memref_slice %arg5[%add3A_473, %dma_start3A_474] : memref<8192x768xf32, #tpu.memory_space<hbm>> -> memref<16x768xf32, #tpu.memory_space<hbm>>
    %dma_start3A_476 = arith.constant 0 : i32
    %dma_start3A_477 = tpu.memref_slice %arg5[%add3A_473, %dma_start3A_476] : memref<8192x768xf32, #tpu.memory_space<hbm>> -> memref<16x768xf32, #tpu.memory_space<hbm>>
    tpu.enqueue_dma source(%arg12 : memref<16x768xf32, #tpu.memory_space<vmem>>) target(%dma_start3A_477 : memref<16x768xf32, #tpu.memory_space<hbm>>) target_semaphore(%arg16 : memref<!tpu.dma_semaphore, #tpu.memory_space<semaphore_mem>>)
    %dma_wait3A_478 = arith.constant 0 : i32
    %dma_wait3A_479 = tpu.memref_slice %arg5[%add3A_441, %dma_wait3A_478] : memref<8192x768xf32, #tpu.memory_space<hbm>> -> memref<16x768xf32, #tpu.memory_space<hbm>>
    %dma_wait3A_480 = arith.constant 0 : i32
    %dma_wait3A_481 = tpu.memref_slice %arg5[%add3A_441, %dma_wait3A_480] : memref<8192x768xf32, #tpu.memory_space<hbm>> -> memref<16x768xf32, #tpu.memory_space<hbm>>
    tpu.wait_dma2 semaphore(%arg16 : memref<!tpu.dma_semaphore, #tpu.memory_space<semaphore_mem>>) src(%arg11 : memref<16x768xf32, #tpu.memory_space<vmem>>) dst(%dma_wait3A_481 : memref<16x768xf32, #tpu.memory_space<hbm>>)
    %add3A_482 = arith.constant 48 : i32
    %add3A_483 = arith.addi %mul3A_4, %add3A_482 : i32
    %dma_start3A_484 = arith.constant 0 : i32
    %dma_start3A_485 = tpu.memref_slice %arg7[%add3A_483, %dma_start3A_484] : memref<1024x768xf32, #tpu.memory_space<vmem_shared>> -> memref<16x768xf32, #tpu.memory_space<vmem_shared>>
    %dma_start3A_486 = arith.constant 0 : i32
    %dma_start3A_487 = tpu.memref_slice %arg7[%add3A_483, %dma_start3A_486] : memref<1024x768xf32, #tpu.memory_space<vmem_shared>> -> memref<16x768xf32, #tpu.memory_space<vmem_shared>>
    tpu.enqueue_dma source(%dma_start3A_487 : memref<16x768xf32, #tpu.memory_space<vmem_shared>>) target(%arg11 : memref<16x768xf32, #tpu.memory_space<vmem>>) target_semaphore(%arg15 : memref<!tpu.dma_semaphore, #tpu.memory_space<semaphore_mem>>)
    %dma_wait3A_488 = arith.constant 0 : i32
    %dma_wait3A_489 = tpu.memref_slice %arg7[%add3A_451, %dma_wait3A_488] : memref<1024x768xf32, #tpu.memory_space<vmem_shared>> -> memref<16x768xf32, #tpu.memory_space<vmem_shared>>
    %dma_wait3A_490 = arith.constant 0 : i32
    %dma_wait3A_491 = tpu.memref_slice %arg7[%add3A_451, %dma_wait3A_490] : memref<1024x768xf32, #tpu.memory_space<vmem_shared>> -> memref<16x768xf32, #tpu.memory_space<vmem_shared>>
    tpu.wait_dma2 semaphore(%arg15 : memref<!tpu.dma_semaphore, #tpu.memory_space<semaphore_mem>>) src(%dma_wait3A_491 : memref<16x768xf32, #tpu.memory_space<vmem_shared>>) dst(%arg10 : memref<16x768xf32, #tpu.memory_space<vmem>>)
    %dma_start3A_492 = arith.constant 224 : i32
    %dma_start3A_493 = tpu.memref_slice %arg6[%dma_start3A_492] : memref<256xi32, #tpu.memory_space<vmem>> -> memref<16xi32, #tpu.memory_space<vmem>>
    %dma_start3A_494 = arith.constant 0 : i32
    %dma_start3A_495 = arith.constant 0 : i32
    %dma_start3A_496 = tpu.memref_slice %arg3[%dma_start3A_494, %dma_start3A_495] : memref<100000x768xf32, #tpu.memory_space<hbm>> -> memref<100000x768xf32, #tpu.memory_space<hbm>>
    tpu.enqueue_indirect_dma source(%dma_start3A_496 : memref<100000x768xf32, #tpu.memory_space<hbm>>) target(%arg10 : memref<16x768xf32, #tpu.memory_space<vmem>>) offsets(%dma_start3A_493 : memref<16xi32, #tpu.memory_space<vmem>>) semaphore(%arg14 : memref<!tpu.dma_semaphore, #tpu.memory_space<semaphore_mem>>) {add = true}
    %dma_wait3A_497 = arith.constant 176 : i32
    %dma_wait3A_498 = tpu.memref_slice %arg6[%dma_wait3A_497] : memref<256xi32, #tpu.memory_space<vmem>> -> memref<16xi32, #tpu.memory_space<vmem>>
    %dma_wait3A_499 = arith.constant 0 : i32
    %dma_wait3A_500 = arith.constant 0 : i32
    %dma_wait3A_501 = tpu.memref_slice %arg3[%dma_wait3A_499, %dma_wait3A_500] : memref<100000x768xf32, #tpu.memory_space<hbm>> -> memref<100000x768xf32, #tpu.memory_space<hbm>>
    tpu.wait_indirect_dma semaphore(%arg14 : memref<!tpu.dma_semaphore, #tpu.memory_space<semaphore_mem>>) src(%dma_wait3A_501 : memref<100000x768xf32, #tpu.memory_space<hbm>>) dst(%arg13 : memref<16x768xf32, #tpu.memory_space<vmem>>)
    %add3A_502 = arith.constant 4096 : i32
    %add3A_503 = arith.addi %add3A_502, %mul3A_2 : i32
    %add3A_504 = arith.constant 48 : i32
    %add3A_505 = arith.addi %add3A_503, %add3A_504 : i32
    %dma_start3A_506 = arith.constant 0 : i32
    %dma_start3A_507 = tpu.memref_slice %arg5[%add3A_505, %dma_start3A_506] : memref<8192x768xf32, #tpu.memory_space<hbm>> -> memref<16x768xf32, #tpu.memory_space<hbm>>
    %dma_start3A_508 = arith.constant 0 : i32
    %dma_start3A_509 = tpu.memref_slice %arg5[%add3A_505, %dma_start3A_508] : memref<8192x768xf32, #tpu.memory_space<hbm>> -> memref<16x768xf32, #tpu.memory_space<hbm>>
    tpu.enqueue_dma source(%arg13 : memref<16x768xf32, #tpu.memory_space<vmem>>) target(%dma_start3A_509 : memref<16x768xf32, #tpu.memory_space<hbm>>) target_semaphore(%arg16 : memref<!tpu.dma_semaphore, #tpu.memory_space<semaphore_mem>>)
    %dma_wait3A_510 = arith.constant 0 : i32
    %dma_wait3A_511 = tpu.memref_slice %arg7[%add3A_483, %dma_wait3A_510] : memref<1024x768xf32, #tpu.memory_space<vmem_shared>> -> memref<16x768xf32, #tpu.memory_space<vmem_shared>>
    %dma_wait3A_512 = arith.constant 0 : i32
    %dma_wait3A_513 = tpu.memref_slice %arg7[%add3A_483, %dma_wait3A_512] : memref<1024x768xf32, #tpu.memory_space<vmem_shared>> -> memref<16x768xf32, #tpu.memory_space<vmem_shared>>
    tpu.wait_dma2 semaphore(%arg15 : memref<!tpu.dma_semaphore, #tpu.memory_space<semaphore_mem>>) src(%dma_wait3A_513 : memref<16x768xf32, #tpu.memory_space<vmem_shared>>) dst(%arg11 : memref<16x768xf32, #tpu.memory_space<vmem>>)
    %dma_start3A_514 = arith.constant 240 : i32
    %dma_start3A_515 = tpu.memref_slice %arg6[%dma_start3A_514] : memref<256xi32, #tpu.memory_space<vmem>> -> memref<16xi32, #tpu.memory_space<vmem>>
    %dma_start3A_516 = arith.constant 0 : i32
    %dma_start3A_517 = arith.constant 0 : i32
    %dma_start3A_518 = tpu.memref_slice %arg3[%dma_start3A_516, %dma_start3A_517] : memref<100000x768xf32, #tpu.memory_space<hbm>> -> memref<100000x768xf32, #tpu.memory_space<hbm>>
    tpu.enqueue_indirect_dma source(%dma_start3A_518 : memref<100000x768xf32, #tpu.memory_space<hbm>>) target(%arg11 : memref<16x768xf32, #tpu.memory_space<vmem>>) offsets(%dma_start3A_515 : memref<16xi32, #tpu.memory_space<vmem>>) semaphore(%arg14 : memref<!tpu.dma_semaphore, #tpu.memory_space<semaphore_mem>>) {add = true}
    %dma_wait3A_519 = arith.constant 192 : i32
    %dma_wait3A_520 = tpu.memref_slice %arg6[%dma_wait3A_519] : memref<256xi32, #tpu.memory_space<vmem>> -> memref<16xi32, #tpu.memory_space<vmem>>
    %dma_wait3A_521 = arith.constant 0 : i32
    %dma_wait3A_522 = arith.constant 0 : i32
    %dma_wait3A_523 = tpu.memref_slice %arg3[%dma_wait3A_521, %dma_wait3A_522] : memref<100000x768xf32, #tpu.memory_space<hbm>> -> memref<100000x768xf32, #tpu.memory_space<hbm>>
    tpu.wait_indirect_dma semaphore(%arg14 : memref<!tpu.dma_semaphore, #tpu.memory_space<semaphore_mem>>) src(%dma_wait3A_523 : memref<100000x768xf32, #tpu.memory_space<hbm>>) dst(%arg8 : memref<16x768xf32, #tpu.memory_space<vmem>>)
    %add3A_524 = arith.constant 6144 : i32
    %add3A_525 = arith.addi %add3A_524, %mul3A_2 : i32
    %add3A_526 = arith.constant 0 : i32
    %add3A_527 = arith.addi %add3A_525, %add3A_526 : i32
    %dma_start3A_528 = arith.constant 0 : i32
    %dma_start3A_529 = tpu.memref_slice %arg5[%add3A_527, %dma_start3A_528] : memref<8192x768xf32, #tpu.memory_space<hbm>> -> memref<16x768xf32, #tpu.memory_space<hbm>>
    %dma_start3A_530 = arith.constant 0 : i32
    %dma_start3A_531 = tpu.memref_slice %arg5[%add3A_527, %dma_start3A_530] : memref<8192x768xf32, #tpu.memory_space<hbm>> -> memref<16x768xf32, #tpu.memory_space<hbm>>
    tpu.enqueue_dma source(%arg8 : memref<16x768xf32, #tpu.memory_space<vmem>>) target(%dma_start3A_531 : memref<16x768xf32, #tpu.memory_space<hbm>>) target_semaphore(%arg16 : memref<!tpu.dma_semaphore, #tpu.memory_space<semaphore_mem>>)
    %dma_wait3A_532 = arith.constant 208 : i32
    %dma_wait3A_533 = tpu.memref_slice %arg6[%dma_wait3A_532] : memref<256xi32, #tpu.memory_space<vmem>> -> memref<16xi32, #tpu.memory_space<vmem>>
    %dma_wait3A_534 = arith.constant 0 : i32
    %dma_wait3A_535 = arith.constant 0 : i32
    %dma_wait3A_536 = tpu.memref_slice %arg3[%dma_wait3A_534, %dma_wait3A_535] : memref<100000x768xf32, #tpu.memory_space<hbm>> -> memref<100000x768xf32, #tpu.memory_space<hbm>>
    tpu.wait_indirect_dma semaphore(%arg14 : memref<!tpu.dma_semaphore, #tpu.memory_space<semaphore_mem>>) src(%dma_wait3A_536 : memref<100000x768xf32, #tpu.memory_space<hbm>>) dst(%arg9 : memref<16x768xf32, #tpu.memory_space<vmem>>)
    %add3A_537 = arith.constant 6144 : i32
    %add3A_538 = arith.addi %add3A_537, %mul3A_2 : i32
    %add3A_539 = arith.constant 16 : i32
    %add3A_540 = arith.addi %add3A_538, %add3A_539 : i32
    %dma_start3A_541 = arith.constant 0 : i32
    %dma_start3A_542 = tpu.memref_slice %arg5[%add3A_540, %dma_start3A_541] : memref<8192x768xf32, #tpu.memory_space<hbm>> -> memref<16x768xf32, #tpu.memory_space<hbm>>
    %dma_start3A_543 = arith.constant 0 : i32
    %dma_start3A_544 = tpu.memref_slice %arg5[%add3A_540, %dma_start3A_543] : memref<8192x768xf32, #tpu.memory_space<hbm>> -> memref<16x768xf32, #tpu.memory_space<hbm>>
    tpu.enqueue_dma source(%arg9 : memref<16x768xf32, #tpu.memory_space<vmem>>) target(%dma_start3A_544 : memref<16x768xf32, #tpu.memory_space<hbm>>) target_semaphore(%arg16 : memref<!tpu.dma_semaphore, #tpu.memory_space<semaphore_mem>>)
    %dma_wait3A_545 = arith.constant 224 : i32
    %dma_wait3A_546 = tpu.memref_slice %arg6[%dma_wait3A_545] : memref<256xi32, #tpu.memory_space<vmem>> -> memref<16xi32, #tpu.memory_space<vmem>>
    %dma_wait3A_547 = arith.constant 0 : i32
    %dma_wait3A_548 = arith.constant 0 : i32
    %dma_wait3A_549 = tpu.memref_slice %arg3[%dma_wait3A_547, %dma_wait3A_548] : memref<100000x768xf32, #tpu.memory_space<hbm>> -> memref<100000x768xf32, #tpu.memory_space<hbm>>
    tpu.wait_indirect_dma semaphore(%arg14 : memref<!tpu.dma_semaphore, #tpu.memory_space<semaphore_mem>>) src(%dma_wait3A_549 : memref<100000x768xf32, #tpu.memory_space<hbm>>) dst(%arg10 : memref<16x768xf32, #tpu.memory_space<vmem>>)
    %add3A_550 = arith.constant 6144 : i32
    %add3A_551 = arith.addi %add3A_550, %mul3A_2 : i32
    %add3A_552 = arith.constant 32 : i32
    %add3A_553 = arith.addi %add3A_551, %add3A_552 : i32
    %dma_start3A_554 = arith.constant 0 : i32
    %dma_start3A_555 = tpu.memref_slice %arg5[%add3A_553, %dma_start3A_554] : memref<8192x768xf32, #tpu.memory_space<hbm>> -> memref<16x768xf32, #tpu.memory_space<hbm>>
    %dma_start3A_556 = arith.constant 0 : i32
    %dma_start3A_557 = tpu.memref_slice %arg5[%add3A_553, %dma_start3A_556] : memref<8192x768xf32, #tpu.memory_space<hbm>> -> memref<16x768xf32, #tpu.memory_space<hbm>>
    tpu.enqueue_dma source(%arg10 : memref<16x768xf32, #tpu.memory_space<vmem>>) target(%dma_start3A_557 : memref<16x768xf32, #tpu.memory_space<hbm>>) target_semaphore(%arg16 : memref<!tpu.dma_semaphore, #tpu.memory_space<semaphore_mem>>)
    %dma_wait3A_558 = arith.constant 240 : i32
    %dma_wait3A_559 = tpu.memref_slice %arg6[%dma_wait3A_558] : memref<256xi32, #tpu.memory_space<vmem>> -> memref<16xi32, #tpu.memory_space<vmem>>
    %dma_wait3A_560 = arith.constant 0 : i32
    %dma_wait3A_561 = arith.constant 0 : i32
    %dma_wait3A_562 = tpu.memref_slice %arg3[%dma_wait3A_560, %dma_wait3A_561] : memref<100000x768xf32, #tpu.memory_space<hbm>> -> memref<100000x768xf32, #tpu.memory_space<hbm>>
    tpu.wait_indirect_dma semaphore(%arg14 : memref<!tpu.dma_semaphore, #tpu.memory_space<semaphore_mem>>) src(%dma_wait3A_562 : memref<100000x768xf32, #tpu.memory_space<hbm>>) dst(%arg11 : memref<16x768xf32, #tpu.memory_space<vmem>>)
    %add3A_563 = arith.constant 6144 : i32
    %add3A_564 = arith.addi %add3A_563, %mul3A_2 : i32
    %add3A_565 = arith.constant 48 : i32
    %add3A_566 = arith.addi %add3A_564, %add3A_565 : i32
    %dma_start3A_567 = arith.constant 0 : i32
    %dma_start3A_568 = tpu.memref_slice %arg5[%add3A_566, %dma_start3A_567] : memref<8192x768xf32, #tpu.memory_space<hbm>> -> memref<16x768xf32, #tpu.memory_space<hbm>>
    %dma_start3A_569 = arith.constant 0 : i32
    %dma_start3A_570 = tpu.memref_slice %arg5[%add3A_566, %dma_start3A_569] : memref<8192x768xf32, #tpu.memory_space<hbm>> -> memref<16x768xf32, #tpu.memory_space<hbm>>
    tpu.enqueue_dma source(%arg11 : memref<16x768xf32, #tpu.memory_space<vmem>>) target(%dma_start3A_570 : memref<16x768xf32, #tpu.memory_space<hbm>>) target_semaphore(%arg16 : memref<!tpu.dma_semaphore, #tpu.memory_space<semaphore_mem>>)
    %dma_wait3A_571 = arith.constant 0 : i32
    %dma_wait3A_572 = tpu.memref_slice %arg5[%add3A_473, %dma_wait3A_571] : memref<8192x768xf32, #tpu.memory_space<hbm>> -> memref<16x768xf32, #tpu.memory_space<hbm>>
    %dma_wait3A_573 = arith.constant 0 : i32
    %dma_wait3A_574 = tpu.memref_slice %arg5[%add3A_473, %dma_wait3A_573] : memref<8192x768xf32, #tpu.memory_space<hbm>> -> memref<16x768xf32, #tpu.memory_space<hbm>>
    tpu.wait_dma2 semaphore(%arg16 : memref<!tpu.dma_semaphore, #tpu.memory_space<semaphore_mem>>) src(%arg12 : memref<16x768xf32, #tpu.memory_space<vmem>>) dst(%dma_wait3A_574 : memref<16x768xf32, #tpu.memory_space<hbm>>)
    %dma_wait3A_575 = arith.constant 0 : i32
    %dma_wait3A_576 = tpu.memref_slice %arg5[%add3A_505, %dma_wait3A_575] : memref<8192x768xf32, #tpu.memory_space<hbm>> -> memref<16x768xf32, #tpu.memory_space<hbm>>
    %dma_wait3A_577 = arith.constant 0 : i32
    %dma_wait3A_578 = tpu.memref_slice %arg5[%add3A_505, %dma_wait3A_577] : memref<8192x768xf32, #tpu.memory_space<hbm>> -> memref<16x768xf32, #tpu.memory_space<hbm>>
    tpu.wait_dma2 semaphore(%arg16 : memref<!tpu.dma_semaphore, #tpu.memory_space<semaphore_mem>>) src(%arg13 : memref<16x768xf32, #tpu.memory_space<vmem>>) dst(%dma_wait3A_578 : memref<16x768xf32, #tpu.memory_space<hbm>>)
    %dma_wait3A_579 = arith.constant 0 : i32
    %dma_wait3A_580 = tpu.memref_slice %arg5[%add3A_527, %dma_wait3A_579] : memref<8192x768xf32, #tpu.memory_space<hbm>> -> memref<16x768xf32, #tpu.memory_space<hbm>>
    %dma_wait3A_581 = arith.constant 0 : i32
    %dma_wait3A_582 = tpu.memref_slice %arg5[%add3A_527, %dma_wait3A_581] : memref<8192x768xf32, #tpu.memory_space<hbm>> -> memref<16x768xf32, #tpu.memory_space<hbm>>
    tpu.wait_dma2 semaphore(%arg16 : memref<!tpu.dma_semaphore, #tpu.memory_space<semaphore_mem>>) src(%arg8 : memref<16x768xf32, #tpu.memory_space<vmem>>) dst(%dma_wait3A_582 : memref<16x768xf32, #tpu.memory_space<hbm>>)
    %dma_wait3A_583 = arith.constant 0 : i32
    %dma_wait3A_584 = tpu.memref_slice %arg5[%add3A_540, %dma_wait3A_583] : memref<8192x768xf32, #tpu.memory_space<hbm>> -> memref<16x768xf32, #tpu.memory_space<hbm>>
    %dma_wait3A_585 = arith.constant 0 : i32
    %dma_wait3A_586 = tpu.memref_slice %arg5[%add3A_540, %dma_wait3A_585] : memref<8192x768xf32, #tpu.memory_space<hbm>> -> memref<16x768xf32, #tpu.memory_space<hbm>>
    tpu.wait_dma2 semaphore(%arg16 : memref<!tpu.dma_semaphore, #tpu.memory_space<semaphore_mem>>) src(%arg9 : memref<16x768xf32, #tpu.memory_space<vmem>>) dst(%dma_wait3A_586 : memref<16x768xf32, #tpu.memory_space<hbm>>)
    %dma_wait3A_587 = arith.constant 0 : i32
    %dma_wait3A_588 = tpu.memref_slice %arg5[%add3A_553, %dma_wait3A_587] : memref<8192x768xf32, #tpu.memory_space<hbm>> -> memref<16x768xf32, #tpu.memory_space<hbm>>
    %dma_wait3A_589 = arith.constant 0 : i32
    %dma_wait3A_590 = tpu.memref_slice %arg5[%add3A_553, %dma_wait3A_589] : memref<8192x768xf32, #tpu.memory_space<hbm>> -> memref<16x768xf32, #tpu.memory_space<hbm>>
    tpu.wait_dma2 semaphore(%arg16 : memref<!tpu.dma_semaphore, #tpu.memory_space<semaphore_mem>>) src(%arg10 : memref<16x768xf32, #tpu.memory_space<vmem>>) dst(%dma_wait3A_590 : memref<16x768xf32, #tpu.memory_space<hbm>>)
    %dma_wait3A_591 = arith.constant 0 : i32
    %dma_wait3A_592 = tpu.memref_slice %arg5[%add3A_566, %dma_wait3A_591] : memref<8192x768xf32, #tpu.memory_space<hbm>> -> memref<16x768xf32, #tpu.memory_space<hbm>>
    %dma_wait3A_593 = arith.constant 0 : i32
    %dma_wait3A_594 = tpu.memref_slice %arg5[%add3A_566, %dma_wait3A_593] : memref<8192x768xf32, #tpu.memory_space<hbm>> -> memref<16x768xf32, #tpu.memory_space<hbm>>
    tpu.wait_dma2 semaphore(%arg16 : memref<!tpu.dma_semaphore, #tpu.memory_space<semaphore_mem>>) src(%arg11 : memref<16x768xf32, #tpu.memory_space<vmem>>) dst(%dma_wait3A_594 : memref<16x768xf32, #tpu.memory_space<hbm>>)
    return
  }
}

</mosaic_0001>

<sc_bundles>
// kernel: kernel.3.cloned.1.call-start
scs
__scs_entry_jumppad:
0x0: {  	(pc) =	sbr.rel $0x88, $3  }
0x1: {  	(tag) =	ssettag $0x0;
	lr =	simm.s32 $0x1  }
0x2: {  	[smem:$0x3F9E] =	sst lr;
	_ =	strace $0xD0000000  }
0x3: {  	_ = 	snop  }
0x4: {  	_ = 	snop  }
0x5: {  	_ = 	snop  }
0x6: {  	_ = 	snop  }
0x7: {  	_ = 	snop  }
__scs_overlays_trampoline_lowered:
0x8: {  	[smem:$0x3FAD] =	sst s0  }
0x9: {  	[smem:$0x3FAE] =	sst s1  }
0xa: {  	[smem:$0x3FAF] =	sst s2  }
0xb: {  	[smem:$0x3FB0] =	sst s3  }
0xc: {  	[smem:$0x3FB1] =	sst s4  }
0xd: {  	[smem:$0x3FB2] =	sst s5  }
0xe: {  	[smem:$0x3FB3] =	sst s6  }
0xf: {  	[smem:$0x3FB4] =	sst s7  }
0x10: {  	[smem:$0x3FB5] =	sst s8  }
0x11: {  	[smem:$0x3FB6] =	sst s9;
	s0 =	simm.s32 @!p0 $0x0  }
0x12: {  	s1 =	sld [smem:$0x3F9C];
	s0 =	simm.s32 @p0 $0x1  }
0x13: {  	[smem:$0x3FB7] =	sst s0;
	s0 =	simm.s32 @!p1 $0x0  }
0x14: {  	s2 =	sld [smem:$0x3F9B];
	s0 =	simm.s32 @p1 $0x1  }
0x15: {  	[smem:$0x3FB8] =	sst s0;
	s0 =	simm.s32 @!p2 $0x0  }
0x16: {  	s3 =	sld [smem:$0x3FDB];
	s0 =	simm.s32 @p2 $0x1  }
0x17: {  	s4 =	simm.s32 $0x1BF5;
	[smem:$0x3FBA] =	sst s0  }
0x18: {  	s0 =	sld [smem:$0x3F9D];
	_ =	swait.ge [sflag:s4], $0x0  }
0x19: {  	s7 =	sld [smem:$0x3F9E]  }
0x1a: {  	s8 =	sadd.s32 $0xFFFFE003, lr  }
0x1b: {  	s9 =	sadd.s32 $0xFFFFFEF7, lr;
	s5 =	simm.s32 $0xFFFFFFFF;
	p2 =	slt.u32 s8, $0xFFFFF086  }
0x1c: {  	p1 =	slt.u32 s9, $0xF7A;
	s5 =	simm.s32 @!p2 $0x0  }
0x1d: {  	s5 =	simm.s32 @p1 $0x1;
	p0 =	seq.s32 s7, s2  }
0x1e: {  	s7 =	smul.u32 @!p0 $0xF7A, s2;
	p2 =	seq.s32 @!p0 s5, $0x0  }
0x1f: {  	s9 =	smul.u32 $0xF7A, s1;
	s8 =	simm.s32 @!p0 $0x1BF5;
	p2 =	por !p2, p0  }
0x20: {  	[sflag:s8] =	ssyncset.s32 @!p0 $0xFFFFF086;
	s6 =	sadd.s32 @!p0 s3, s7;
	s7 =	simm.s32 @!p0 $0x108  }
0x21: {  	s3 =	sadd.s32 s3, s9;
	s6 =	sadd.s32 @!p0 $0x88, s6;
	s7 =	simm.s32 @p2 $0x1082  }
0x22: {  	[simem:s7], [sflag:s8] =	dma.local @!p0 [hbm:s6], $0xF7A  }
0x23: {  	s9 =	sor.u32 $0xD0000000, s2;
	s6 =	simm.s32 $0x108;
	_ =	swait.ge @!p0 [sflag:s8], $0x0  }
0x24: {  	s3 =	sadd.s32 $0x88, s3;
	s6 =	simm.s32 @!p1 $0x1082;
	[sflag:s4] =	ssyncset.s32 $0xFFFFF086  }
0x25: {  	[simem:s6], [sflag:s4] =	dma.local [hbm:s3], $0xF7A  }
0x26: {  	[smem:$0x3F9E] =	sst s1;
	(tag) =	ssettag s2;
	_ =	strace s9  }
0x27: {  	s1 =	sld [smem:$0x3FAE]  }
0x28: {  	s2 =	sld [smem:$0x3FAF]  }
0x29: {  	s4 =	sld [smem:$0x3FB1]  }
0x2a: {  	p0 =	seq.s32 s5, $0x0;
	s5 =	sld [smem:$0x3FB2]  }
0x2b: {  	s6 =	sld [smem:$0x3FB3]  }
0x2c: {  	s7 =	sld [smem:$0x3FB4]  }
0x2d: {  	s3 =	simm.s32 $0x108;
	s8 =	sld [smem:$0x3FB5]  }
0x2e: {  	s3 =	simm.s32 @!p0 $0x1082;
	s9 =	sld [smem:$0x3FB6]  }
0x2f: {  	lr =	sadd.s32 s0, s3;
	s0 =	sld [smem:$0x3FAD]  }
0x30: {  	s3 =	sld [smem:$0x3FB0]  }
0x31: {  	[smem:$0x3FB9] =	sst s10  }
0x32: {  	s10 =	sld [smem:$0x3FB7];
	_ =	sdelay $0x3  }
0x33: {  	p0 =	seq.s32 s10, $0x1;
	s10 =	sld [smem:$0x3FB9];
	_ =	sdelay $0x3  }
0x34: {  	[smem:$0x3FB9] =	sst s10  }
0x35: {  	s10 =	sld [smem:$0x3FB8];
	_ =	sdelay $0x3  }
0x36: {  	p1 =	seq.s32 s10, $0x1;
	s10 =	sld [smem:$0x3FB9];
	_ =	sdelay $0x3  }
0x37: {  	[smem:$0x3FB9] =	sst s10  }
0x38: {  	s10 =	sld [smem:$0x3FBA]  }
0x39: {  	_ = 	snop;
	(pc) =	sbr.ind lr, $3  }
0x3a: {  	_ = 	snop  }
0x3b: {  	_ = 	snop  }
0x3c: {  	p2 =	seq.s32 s10, $0x1;
	s10 =	sld [smem:$0x3FB9]  }
0x3d: {  	_ =	shalt  }
0x3e: {  	_ =	shalt  }
0x3f: {  	_ =	shalt  }
0x40: {  	_ =	shalt  }
0x41: {  	_ =	shalt  }
0x42: {  	_ =	shalt  }
0x43: {  	_ =	shalt  }
0x44: {  	_ =	shalt  }
0x45: {  	_ =	shalt  }
0x46: {  	_ =	shalt  }
0x47: {  	_ =	shalt  }
0x48: {  	_ =	shalt  }
0x49: {  	_ =	shalt  }
0x4a: {  	_ =	shalt  }
0x4b: {  	_ =	shalt  }
0x4c: {  	_ =	shalt  }
0x4d: {  	_ =	shalt  }
0x4e: {  	_ =	shalt  }
0x4f: {  	_ =	shalt  }
0x50: {  	_ =	shalt  }
0x51: {  	_ =	shalt  }
0x52: {  	_ =	shalt  }
0x53: {  	_ =	shalt  }
0x54: {  	_ =	shalt  }
0x55: {  	_ =	shalt  }
0x56: {  	_ =	shalt  }
0x57: {  	_ =	shalt  }
0x58: {  	_ =	shalt  }
0x59: {  	_ =	shalt  }
0x5a: {  	_ =	shalt  }
0x5b: {  	_ =	shalt  }
0x5c: {  	_ =	shalt  }
0x5d: {  	_ =	shalt  }
0x5e: {  	_ =	shalt  }
0x5f: {  	_ =	shalt  }
0x60: {  	_ =	shalt  }
0x61: {  	_ =	shalt  }
0x62: {  	_ =	shalt  }
0x63: {  	_ =	shalt  }
0x64: {  	_ =	shalt  }
0x65: {  	_ =	shalt  }
0x66: {  	_ =	shalt  }
0x67: {  	_ =	shalt  }
0x68: {  	_ =	shalt  }
0x69: {  	_ =	shalt  }
0x6a: {  	_ =	shalt  }
0x6b: {  	_ =	shalt  }
0x6c: {  	_ =	shalt  }
0x6d: {  	_ =	shalt  }
0x6e: {  	_ =	shalt  }
0x6f: {  	_ =	shalt  }
0x70: {  	_ =	shalt  }
0x71: {  	_ =	shalt  }
0x72: {  	_ =	shalt  }
0x73: {  	_ =	shalt  }
0x74: {  	_ =	shalt  }
0x75: {  	_ =	shalt  }
0x76: {  	_ =	shalt  }
0x77: {  	_ =	shalt  }
0x78: {  	_ =	shalt  }
0x79: {  	_ =	shalt  }
0x7a: {  	_ =	shalt  }
0x7b: {  	_ =	shalt  }
0x7c: {  	_ =	shalt  }
0x7d: {  	_ =	shalt  }
0x7e: {  	_ =	shalt  }
0x7f: {  	_ =	shalt  }
0x80: {  	_ =	shalt  }
0x81: {  	_ =	shalt  }
0x82: {  	_ =	shalt  }
0x83: {  	_ =	shalt  }
0x84: {  	_ =	shalt  }
0x85: {  	_ =	shalt  }
0x86: {  	_ =	shalt  }
0x87: {  	_ =	shalt  }
.Lfunc_end0:
.L_simem_size_0:
called_computation_lowered:
.L_overlay_start_0:
0x88: {  	s2 =	sld [smem:$0x3FD9]  }
0x89: {  	s3 =	sld [smem:$0x3FFE];
	_ =	sdelay $0x1  }
0x8a: {  	s1 =	srdreg.scid  }
0x8b: {  	s0 =	sand.u32 $0x1, s1  }
0x8c: {  	s18 =	sshll.u32 s0, $0xA;
	s2 =	sadd.s32 s3, s2  }
0x8d: {  	s2 =	sadd.s32 s2, s18  }
0x8e: {  	[smem:$0x3FC5] =	sst s2  }
0x8f: {  	_ = 	snop  }
0x90: {  	s2 =	sld [smem:$0x3FC9]  }
0x91: {  	s19 =	sld [smem:$0x3FC8]  }
0x92: {  	s4 =	sld [smem:$0x3FC7]  }
0x93: {  	s5 =	sld [smem:$0x3FD0];
	(tm) =	ssettm $0x1  }
0x94: {  	s6 =	sld [smem:$0x3FFB];
	_ =	sdelay $0x3  }
0x95: {  	_ =	strace s6  }
0x96: {  	s6 =	sld [smem:$0x3FFC];
	_ =	sdelay $0x3  }
0x97: {  	_ =	strace s6  }
0x98: {  	s6 =	sld [smem:$0x3FFD];
	_ =	sdelay $0x3  }
0x99: {  	_ =	strace s6  }
0x9a: {  	_ =	strace $0x8FFFFFFF  }
0x9b: {  	s20 =	sld [smem:$0x3FDB];
	_ =	sdelay $0x1  }
0x9c: {  	s7 =	simm.s32 $_scs_section_size  }
0x9d: {  	s8 =	simm.s32 $_size__tile_overlayer_lowered;
	s9 =	simm.s32 $_tile_overlayer_lowered  }
0x9e: {  	s23 =	simm.s32 $0x1BFF;
	s22 =	sshll.u32 s9, $0x1;
	s6 =	sadd.s32 s7, s20  }
0x9f: {  	s10 =	simm.s32 $0x0;
	s21 =	sshll.u32 s8, $0x1;
	s8 =	sadd.s32 s22, s6  }
0xa0: {  	[timem:s10], [sflag:s23] =	dma.local [hbm:s8], s21  }
0xa1: {  	_ =	swait.ge [sflag:s23], s21  }
0xa2: {  	s7 =	ssub.s32 $0x0, s21;
	[sflag:s23] =	ssyncset.done $0x0  }
0xa3: {  	[sflag:s23] =	ssyncadd.s32 s7;
	_ =	sdelay $0x1  }
0xa4: {  	s24 =	simm.s32 $0x1B8B  }
0xa5: {  	_ =	swait.ge [sflag:s24], $0x1  }
0xa6: {  	[sflag:s24] =	ssyncset.done $0x0  }
0xa7: {  	s25 =	simm.s32 $0x1B8E;
	[sflag:s24] =	ssyncadd.s32 $0xFFFFFFFF  }
0xa8: {  	s26 =	simm.s32 $execute0_lowered;
	[smem:$0x3FD2] =	sst s25  }
0xa9: {  	s7 =	sshll.u32 s26, $0x1;
	_ =	strace $0x80000046;
	[dreg:$0x1] =	wrdreg $0xFFFFFFFF  }
0xaa: {  	s28 =	simm.s32 $_size_execute0_lowered;
	s6 =	sadd.s32 s6, s7;
	[dreg:$0x0] =	wrdreg $0x0  }
0xab: {  	s7 =	sshll.u32 s28, $0x1;
	[dreg:$0x2] =	wrdreg s6  }
0xac: {  	[dreg:$0x3] =	wrdreg s7  }
0xad: {  	[dreg:$0x4] =	wrdreg $0xC0  }
0xae: {  	_ =	task [dreg:s10], $0x5FFFF  }
0xaf: {  	[dreg:$0x1] =	wrdreg $0xFFFFFFFF  }
0xb0: {  	[dreg:$0x0] =	wrdreg $0x60  }
0xb1: {  	[dreg:$0x2] =	wrdreg s2  }
0xb2: {  	[dreg:$0x3] =	wrdreg s19  }
0xb3: {  	[dreg:$0x4] =	wrdreg s4  }
0xb4: {  	[dreg:$0x5] =	wrdreg s5  }
0xb5: {  	[dreg:$0x6] =	wrdreg $0x1000  }
0xb6: {  	[dreg:$0x7] =	wrdreg $0x9  }
0xb7: {  	_ =	task.clear_ibuf [dreg:s10], $0x8FFFF;
	_ =	strace $0x90000046  }
0xb8: {  	s29 =	simm.s32 $0x9;
	_ =	strace $0x80000048  }
0xb9: {  	_ =	swait.ge [sflag:s29], $0x1  }
0xba: {  	[sflag:s29] =	ssyncadd.s32 $0xFFFFFFFF  }
0xbb: {  	_ =	strace $0x90000048  }
0xbc: {  	_ =	sfence  }
0xbd: {  	s30 =	sld [smem:$0x0];
	_ =	sdelay $0x2  }
0xbe: {  	s31 =	sshll.u32 s1, $0xD;
	s1 =	sshrl.u32 s1, $0x2  }
0xbf: {  	s3 =	sand.u32 $0x4000, s31;
	s1 =	sadd.s32 s1, s30  }
0xc0: {  	s0 =	sor.u32 s3, s0;
	s1 =	sshll.u32 s1, $0x11  }
0xc1: {  	s0 =	sor.u32 s1, s0  }
0xc2: {  	s0 =	sadd.s32 $0x8F2B, s0  }
0xc3: {  	[sflag:s0] =	ssyncadd.remote.s32 $0x1  }
0xc4: {  	_ =	sfence.sel $0xFFFF  }
0xc5: {  	[dreg:$0x0] =	wrdreg $0xFFFFFFFF;
	(pc) =	sbr.abs _section_cstart, $3  }
0xc6: {  	[dreg:$0x1] =	wrdreg $0xFFFFFFFF  }
0xc7: {  	_ =	task.clear_ibuf [dreg:s10], $0x2FFFF;
	_ =	strace $0x9FFFFFFF  }
0xc8: {  	(tm) =	ssettm $0x7FFFFFFF  }
0xc9: {  	_ =	shalt  }
tec
execute0_lowered:
.L_overlay_start_1:
0x0: {  	(tag) =	ssettag $0x1  }
0x1: {  	s0 =	srdreg.scid;
	s2 =	rddreg [dreg:$0x0]  }
0x2: {  	s11 =	stileid.u32;
	s1 =	rddreg [dreg:$0x1];
	s0 =	sand.u32 $0x1, s0  }
0x3: {  	s6 =	rddreg [dreg:$0x2];
	s3 =	sshll.u32 s11, $0x7;
	s4 =	sshll.u32 s0, $0x6  }
0x4: {  	s8 =	rddreg [dreg:$0x3];
	s5 =	sor.u32 s4, s3  }
0x5: {  	s9 =	rddreg [dreg:$0x4];
	s7 =	sshll.u32 s5, $0x2  }
0x6: {  	s17 =	sshll.u32 s11, $0x6;
	s3 =	simm.s32 $0x0;
	s13 =	sand.u32 $0x1E00, s7  }
0x7: {  	[smem:$0x7FF] =	sst s3;
	s5 =	sshrl.u32 s5, $0x3;
	s10 =	sor.u32 s4, s13  }
0x8: {  	_ =	strace $0x80000047;
	s4 =	sor.u32 s4, s7;
	s10 =	sshrl.u32 s10, $0x3  }
0x9: {  	s16 =	smul.u32 $0x1800, s5;
	s4 =	sshrl.u32 s4, $0x3;
	s10 =	sadd.s32 s2, s10  }
0xa: {  	s15 =	sor.u32 $0x20, s4;
	[dreg:$0x1f] =	wrdreg s10;
	s14 =	sadd.s32 $0x10, s10  }
0xb: {  	s4 =	sor.u32 $0x30, s4;
	s7 =	sadd.s32 s2, s15;
	[dreg:$0x6] =	wrdreg s14  }
0xc: {  	s2 =	sadd.s32 s2, s4;
	s4 =	sshrl.u32 s16, $0x3;
	[dreg:$0x7] =	wrdreg s7  }
0xd: {  	[dreg:$0x8] =	wrdreg s2;
	s2 =	sor.u32 $0x1C05, s17;
	s20 =	sadd.s32 $0xC00, s4  }
0xe: {  	s4 =	sadd.s32 $0x1200, s4;
	[dreg:$0x9] =	wrdreg s2;
	s21 =	sadd.s32 s6, s20  }
0xf: {  	s22 =	sadd.s32 s6, s4;
	[dreg:$0xb] =	wrdreg s21  }
0x10: {  	s10 =	smul.u32 $0x300, s5;
	s24 =	sadd.s32 s8, s20;
	[dreg:$0xc] =	wrdreg s22  }
0x11: {  	s26 =	sadd.s32 s8, s4;
	[dreg:$0xe] =	wrdreg s24  }
0x12: {  	s18 =	sor.u32 $0x600, s10;
	s25 =	sadd.s32 s8, s10;
	[dreg:$0xf] =	wrdreg s26  }
0x13: {  	s19 =	sadd.s32 s6, s18;
	[smem:$0x7FB] =	sst s25  }
0x14: {  	s23 =	sadd.s32 s8, s18;
	[dreg:$0xa] =	wrdreg s19  }
0x15: {  	s31 =	sadd.s32 $0x30000, s25;
	[dreg:$0xd] =	wrdreg s23  }
0x16: {  	s4 =	sadd.s32 $0x30600, s25;
	[dreg:$0x10] =	wrdreg s31  }
0x17: {  	s7 =	sadd.s32 $0x30C00, s25;
	[dreg:$0x11] =	wrdreg s4  }
0x18: {  	s28 =	simm.s32 $0x1;
	s12 =	sadd.s32 $0x31200, s25;
	[dreg:$0x12] =	wrdreg s7  }
0x19: {  	s30 =	simm.s32 $0x3;
	s13 =	sadd.s32 $0x60000, s25;
	[dreg:$0x13] =	wrdreg s12  }
0x1a: {  	s29 =	simm.s32 $0x18100;
	s6 =	sadd.s32 s6, s10;
	[dreg:$0x14] =	wrdreg s13  }
0x1b: {  	s0 =	ssub.s32 $0x2, s0;
	s15 =	sadd.s32 $0x60600, s25;
	[smem:$0x7F9] =	sst s6  }
0x1c: {  	s5 =	simm.s32 $0x1D100;
	s16 =	sadd.s32 $0x60C00, s25;
	[dreg:$0x15] =	wrdreg s15  }
0x1d: {  	s14 =	smul.u32 $0x30000, s11;
	s17 =	sadd.s32 $0x61200, s25;
	[dreg:$0x16] =	wrdreg s16  }
0x1e: {  	s8 =	sshrl.u32 s0, $0x1;
	s18 =	sadd.s32 $0x90000, s25;
	[dreg:$0x17] =	wrdreg s17  }
0x1f: {  	s21 =	sadd.s32 $0x90C00, s25;
	s22 =	sadd.s32 $0x91200, s25;
	[dreg:$0x18] =	wrdreg s18  }
0x20: {  	s24 =	simm.s32 $0x40;
	s26 =	simm.s32 $0x80;
	[dreg:$0x1a] =	wrdreg s21  }
0x21: {  	s10 =	simm.s32 $0x19100;
	s0 =	ssub.s32 s0, s8;
	[dreg:$0x1b] =	wrdreg s22  }
0x22: {  	s4 =	sshrl.u32 s14, $0x2;
	s8 =	sadd.s32 $0x100, s1;
	[dreg:$0x1c] =	wrdreg s24  }
0x23: {  	s19 =	sadd.s32 $0x90600, s25;
	[dreg:$0x1d] =	wrdreg s26;
	s31 =	simm.s32 $0xC0  }
0x24: {  	s14 =	simm.s32 $0xC100;
	s15 =	simm.s32 $0xF100;
	s16 =	simm.s32 $0x12100  }
0x25: {  	s17 =	simm.s32 $0x15100;
	s18 =	simm.s32 $0x2;
	s6 =	simm.s32 $0x18900  }
0x26: {  	s22 =	simm.s32 $0x19900;
	s24 =	simm.s32 $0x1A900;
	s26 =	simm.s32 $0x1C100  }
0x27: {  	s7 =	simm.s32 $0x1D900;
	s20 =	sadd.s32 s4, s9;
	[dreg:$0x19] =	wrdreg s19  }
0x28: {  	s9 =	sadd.s32 $0x200, s1;
	[dreg:$0x1e] =	wrdreg s31;
	s4 =	sadd.s32 $0x3000, s20  }
0x29: {  	v2 =	vlaneseq.u32;
	s13 =	smax.u32 s0, $0x1;
	s23 =	sadd.s32 $0x6000, s20;
	[smem:$0x7FA] =	sst s4  }
0x2a: {  	vm0 =	vmmov $0xffff;
	v1 =	vshrl.u32 v2, $0x3;
	s19 =	simm.s32 $0x4;
	s25 =	sadd.s32 $0x9000, s20;
	[smem:$0x7FC] =	sst s23  }
0x2b: {  	v0 =	vand.u32 $0x7, v2;
	v2 =	vor.u32 $0x8, v2;
	v1 =	vmul.u32 $0x8, v1;
	[smem:$0x7FD] =	sst s25;
	s23 =	simm.s32 $0x1A100;
	s25 =	simm.s32 $0x1B900  }
.LBB2_1:
0x2c: {  	s31 =	rddreg [dreg:$0x6]  }
0x2d: {  	s2 =	rddreg [dreg:$0x1c]  }
0x2e: {  	s0 =	rddreg [dreg:$0x1f]  }
0x2f: {  	s21 =	rddreg [dreg:$0x7]  }
0x30: {  	s11 =	rddreg [dreg:$0x8]  }
0x31: {  	s4 =	rddreg [dreg:$0x1e]  }
0x32: {  	[tilespmem:s3], [sflag:$0x4] =	stream.linear.gather [hbm4b:s0+s3], $0x40, $0x38;
	[tilespmem:$0x1E100] =	vst v63  }
0x33: {  	s0 =	rddreg [dreg:$0x1d]  }
0x34: {  	[tilespmem:s2], [sflag:$0x4] =	stream.linear.gather [hbm4b:s31+s3], $0x40, $0x38;
	[tilespmem:$0x1E100] =	vst v63  }
0x35: {  	s31 =	sld [smem:$0x7F9]  }
0x36: {  	[tilespmem:s0], [sflag:$0x4] =	stream.linear.gather [hbm4b:s21+s3], $0x40, $0x38;
	[tilespmem:$0x1E100] =	vst v63  }
0x37: {  	s12 =	rddreg [dreg:$0x9];
	s21 =	sshrl.u32 s20, $0x3  }
0x38: {  	[tilespmem:s4], [sflag:$0x4] =	stream.linear.gather [hbm4b:s11+s3], $0x40, $0x38;
	[tilespmem:$0x1E100] =	vst v63  }
0x39: {  	[spmem:s21], [sflag:s12] =	dma.local [hbm:s31], $0x1800  }
0x3a: {  	[tilespmem:s14], [sflag:$0x2] =	stream.linear.gather [hbm4b:s31+s3], $0x3000, $0x38;
	[tilespmem:$0x1E100] =	vst v63  }
0x3b: {  	s0 =	rddreg [dreg:$0xa]  }
0x3c: {  	[tilespmem:s15], [sflag:$0x2] =	stream.linear.gather [hbm4b:s0+s3], $0x3000, $0x38;
	[tilespmem:$0x1E100] =	vst v63  }
0x3d: {  	s2 =	rddreg [dreg:$0xb]  }
0x3e: {  	[tilespmem:s16], [sflag:$0x2] =	stream.linear.gather [hbm4b:s2+s3], $0x3000, $0x38;
	[tilespmem:$0x1E100] =	vst v63  }
0x3f: {  	s4 =	rddreg [dreg:$0xc]  }
0x40: {  	[tilespmem:s17], [sflag:$0x2] =	stream.linear.gather [hbm4b:s4+s3], $0x3000, $0x38;
	[tilespmem:$0x1E100] =	vst v63  }
0x41: {  	_ =	swait.ge [sflag:s18], $0x3000  }
0x42: {  	[sflag:s18] =	ssyncset.done $0x0  }
0x43: {  	[sflag:s18] =	ssyncadd.s32 $0xFFFFD000  }
0x44: {  	_ =	swait.ge [sflag:s19], $0x40  }
0x45: {  	[sflag:s19] =	ssyncset.done $0x0  }
0x46: {  	[sflag:s19] =	ssyncadd.s32 $0xFFFFFFC0  }
0x47: {  	v3 =	vld [tilespmem:$0x0];
	_ =	sdelay $0x4  }
0x48: {  	v4 =	vshrl.u32 v3, $0x3  }
0x49: {  	v4 =	vmul.u32 $0x30, v4  }
0x4a: {  	v3 =	vand.u32 $0x7, v3  }
0x4b: {  	v3 =	vor.u32 v3, v4  }
0x4c: {  	v4 =	vperm.xlane v3, v0;
	_ =	sdelay $0x1  }
0x4d: {  	v4 =	vadd.s32 v1, v4;
	_ =	sdelay $0x3  }
0x4e: {  	v3 =	vperm.xlane v3, v2  }
0x4f: {  	[tilespmem:s14], [sflag:$0x1] =	stream.indirect_vreg.gather [hbm4b:s1+s3], $0x80, v4, vm0, $0xb8;
	[tilespmem:$0x1E100] =	vst v63  }
0x50: {  	s11 =	simm.s32 $0xC900;
	v3 =	vadd.s32 v1, v3  }
0x51: {  	[tilespmem:s11], [sflag:$0x1] =	stream.indirect_vreg.gather [hbm4b:s8+s3], $0x80, v4, vm0, $0xb8;
	[tilespmem:$0x1E100] =	vst v63  }
0x52: {  	s12 =	simm.s32 $0xD100  }
0x53: {  	[tilespmem:s12], [sflag:$0x1] =	stream.indirect_vreg.gather [hbm4b:s9+s3], $0x80, v4, vm0, $0xb8;
	[tilespmem:$0x1E100] =	vst v63  }
0x54: {  	s21 =	simm.s32 $0xD900  }
0x55: {  	[tilespmem:s21], [sflag:$0x1] =	stream.indirect_vreg.gather [hbm4b:s1+s3], $0x80, v3, vm0, $0xb8;
	[tilespmem:$0x1E100] =	vst v63  }
0x56: {  	s31 =	simm.s32 $0xE100  }
0x57: {  	[tilespmem:s31], [sflag:$0x1] =	stream.indirect_vreg.gather [hbm4b:s8+s3], $0x80, v3, vm0, $0xb8;
	[tilespmem:$0x1E100] =	vst v63  }
0x58: {  	s2 =	simm.s32 $0xE900  }
0x59: {  	[tilespmem:s2], [sflag:$0x1] =	stream.indirect_vreg.gather [hbm4b:s9+s3], $0x80, v3, vm0, $0xb8;
	[tilespmem:$0x1E100] =	vst v63  }
0x5a: {  	_ =	swait.ge [sflag:s18], $0x3000  }
0x5b: {  	[sflag:s18] =	ssyncset.done $0x0  }
0x5c: {  	[sflag:s18] =	ssyncadd.s32 $0xFFFFD000  }
0x5d: {  	v3 =	vld [tilespmem:$0x10];
	_ =	sdelay $0x4  }
0x5e: {  	v49 =	vshrl.u32 v3, $0x3  }
0x5f: {  	v4 =	vmul.u32 $0x30, v49  }
0x60: {  	v3 =	vand.u32 $0x7, v3  }
0x61: {  	v3 =	vor.u32 v3, v4  }
0x62: {  	v4 =	vperm.xlane v3, v0;
	_ =	sdelay $0x1  }
0x63: {  	v4 =	vadd.s32 v1, v4;
	_ =	sdelay $0x3  }
0x64: {  	v3 =	vperm.xlane v3, v2  }
0x65: {  	[tilespmem:s15], [sflag:$0x1] =	stream.indirect_vreg.gather [hbm4b:s1+s3], $0x80, v4, vm0, $0xb8;
	[tilespmem:$0x1E100] =	vst v63  }
0x66: {  	s4 =	simm.s32 $0xF900;
	v3 =	vadd.s32 v1, v3  }
0x67: {  	[tilespmem:s4], [sflag:$0x1] =	stream.indirect_vreg.gather [hbm4b:s8+s3], $0x80, v4, vm0, $0xb8;
	[tilespmem:$0x1E100] =	vst v63  }
0x68: {  	s11 =	simm.s32 $0x10100  }
0x69: {  	[tilespmem:s11], [sflag:$0x1] =	stream.indirect_vreg.gather [hbm4b:s9+s3], $0x80, v4, vm0, $0xb8;
	[tilespmem:$0x1E100] =	vst v63  }
0x6a: {  	s12 =	simm.s32 $0x10900  }
0x6b: {  	[tilespmem:s12], [sflag:$0x1] =	stream.indirect_vreg.gather [hbm4b:s1+s3], $0x80, v3, vm0, $0xb8;
	[tilespmem:$0x1E100] =	vst v63  }
0x6c: {  	s21 =	simm.s32 $0x11100  }
0x6d: {  	[tilespmem:s21], [sflag:$0x1] =	stream.indirect_vreg.gather [hbm4b:s8+s3], $0x80, v3, vm0, $0xb8;
	[tilespmem:$0x1E100] =	vst v63  }
0x6e: {  	s2 =	simm.s32 $0x11900  }
0x6f: {  	[tilespmem:s2], [sflag:$0x1] =	stream.indirect_vreg.gather [hbm4b:s9+s3], $0x80, v3, vm0, $0xb8;
	[tilespmem:$0x1E100] =	vst v63  }
0x70: {  	_ =	swait.ge [sflag:s18], $0x3000  }
0x71: {  	[sflag:s18] =	ssyncset.done $0x0  }
0x72: {  	[sflag:s18] =	ssyncadd.s32 $0xFFFFD000  }
0x73: {  	v3 =	vld [tilespmem:$0x20];
	_ =	sdelay $0x4  }
0x74: {  	v50 =	vshrl.u32 v3, $0x3  }
0x75: {  	v4 =	vmul.u32 $0x30, v50  }
0x76: {  	v3 =	vand.u32 $0x7, v3  }
0x77: {  	v3 =	vor.u32 v3, v4  }
0x78: {  	v4 =	vperm.xlane v3, v0;
	_ =	sdelay $0x1  }
0x79: {  	v4 =	vadd.s32 v1, v4;
	_ =	sdelay $0x3  }
0x7a: {  	v3 =	vperm.xlane v3, v2  }
0x7b: {  	[tilespmem:s16], [sflag:$0x1] =	stream.indirect_vreg.gather [hbm4b:s1+s3], $0x80, v4, vm0, $0xb8;
	[tilespmem:$0x1E100] =	vst v63  }
0x7c: {  	s4 =	simm.s32 $0x12900;
	v3 =	vadd.s32 v1, v3  }
0x7d: {  	[tilespmem:s4], [sflag:$0x1] =	stream.indirect_vreg.gather [hbm4b:s8+s3], $0x80, v4, vm0, $0xb8;
	[tilespmem:$0x1E100] =	vst v63  }
0x7e: {  	s11 =	simm.s32 $0x13100  }
0x7f: {  	[tilespmem:s11], [sflag:$0x1] =	stream.indirect_vreg.gather [hbm4b:s9+s3], $0x80, v4, vm0, $0xb8;
	[tilespmem:$0x1E100] =	vst v63  }
0x80: {  	s12 =	simm.s32 $0x13900  }
0x81: {  	[tilespmem:s12], [sflag:$0x1] =	stream.indirect_vreg.gather [hbm4b:s1+s3], $0x80, v3, vm0, $0xb8;
	[tilespmem:$0x1E100] =	vst v63  }
0x82: {  	s21 =	simm.s32 $0x14100  }
0x83: {  	[tilespmem:s21], [sflag:$0x1] =	stream.indirect_vreg.gather [hbm4b:s8+s3], $0x80, v3, vm0, $0xb8;
	[tilespmem:$0x1E100] =	vst v63  }
0x84: {  	s2 =	simm.s32 $0x14900;
	s4 =	simm.s32 $0x5  }
0x85: {  	[tilespmem:s2], [sflag:$0x1] =	stream.indirect_vreg.gather [hbm4b:s9+s3], $0x80, v3, vm0, $0xb8;
	[tilespmem:$0x1E100] =	vst v63  }
0x86: {  	_ =	swait.ge [sflag:s4], $0x1800  }
0x87: {  	[sflag:s4] =	ssyncset.done $0x0  }
0x88: {  	[sflag:s4] =	ssyncadd.s32 $0xFFFFE800  }
0x89: {  	[tilespmem:s29], [sflag:$0x2] =	stream.linear.gather [spmem:s20], $0x3000, $0x38;
	[tilespmem:$0x1E100] =	vst v63  }
0x8a: {  	_ =	swait.ge [sflag:s18], $0x3000  }
0x8b: {  	[sflag:s18] =	ssyncset.done $0x0  }
0x8c: {  	[sflag:s18] =	ssyncadd.s32 $0xFFFFD000  }
0x8d: {  	v3 =	vld [tilespmem:$0x30];
	_ =	sdelay $0x4  }
0x8e: {  	v51 =	vshrl.u32 v3, $0x3  }
0x8f: {  	v4 =	vmul.u32 $0x30, v51  }
0x90: {  	v3 =	vand.u32 $0x7, v3  }
0x91: {  	v3 =	vor.u32 v3, v4  }
0x92: {  	v4 =	vperm.xlane v3, v0;
	_ =	sdelay $0x1  }
0x93: {  	v4 =	vadd.s32 v1, v4;
	_ =	sdelay $0x3  }
0x94: {  	v3 =	vperm.xlane v3, v2  }
0x95: {  	[tilespmem:s17], [sflag:$0x1] =	stream.indirect_vreg.gather [hbm4b:s1+s3], $0x80, v4, vm0, $0xb8;
	[tilespmem:$0x1E100] =	vst v63  }
0x96: {  	s11 =	simm.s32 $0x15900;
	v3 =	vadd.s32 v1, v3  }
0x97: {  	[tilespmem:s11], [sflag:$0x1] =	stream.indirect_vreg.gather [hbm4b:s8+s3], $0x80, v4, vm0, $0xb8;
	[tilespmem:$0x1E100] =	vst v63  }
0x98: {  	s12 =	simm.s32 $0x16100  }
0x99: {  	[tilespmem:s12], [sflag:$0x1] =	stream.indirect_vreg.gather [hbm4b:s9+s3], $0x80, v4, vm0, $0xb8;
	[tilespmem:$0x1E100] =	vst v63  }
0x9a: {  	s21 =	simm.s32 $0x16900  }
0x9b: {  	[tilespmem:s21], [sflag:$0x1] =	stream.indirect_vreg.gather [hbm4b:s1+s3], $0x80, v3, vm0, $0xb8;
	[tilespmem:$0x1E100] =	vst v63  }
0x9c: {  	s2 =	simm.s32 $0x17100  }
0x9d: {  	[tilespmem:s2], [sflag:$0x1] =	stream.indirect_vreg.gather [hbm4b:s8+s3], $0x80, v3, vm0, $0xb8;
	[tilespmem:$0x1E100] =	vst v63  }
0x9e: {  	s4 =	simm.s32 $0x17900  }
0x9f: {  	[tilespmem:s4], [sflag:$0x1] =	stream.indirect_vreg.gather [hbm4b:s9+s3], $0x80, v3, vm0, $0xb8;
	[tilespmem:$0x1E100] =	vst v63  }
0xa0: {  	_ =	swait.ge [sflag:s28], $0x3000  }
0xa1: {  	s11 =	sld [smem:$0x7FB]  }
0xa2: {  	[sflag:s28] =	ssyncset.done $0x0  }
0xa3: {  	[sflag:s28] =	ssyncadd.s32 $0xFFFFD000  }
0xa4: {  	[hbm4b:s11+s3] =	stream.linear.scatter [tilespmem:s14], [sflag:$0x3], $0x3000, $0x38;
	[tilespmem:$0x1E100] =	vst v63  }
0xa5: {  	s11 =	sld [smem:$0x7FA];
	_ =	sdelay $0x1  }
0xa6: {  	s2 =	simm.s32 $0x1B100  }
0xa7: {  	[tilespmem:s2], [sflag:$0x2] =	stream.linear.gather [spmem:s11], $0x3000, $0x38;
	[tilespmem:$0x1E100] =	vst v63  }
0xa8: {  	_ =	swait.ge [sflag:s18], $0x3000  }
0xa9: {  	[sflag:s18] =	ssyncset.done $0x0  }
0xaa: {  	[sflag:s18] =	ssyncadd.s32 $0xFFFFD000  }
0xab: {  	_ =	swait.ge [sflag:s19], $0x40  }
0xac: {  	[sflag:s19] =	ssyncset.done $0x0  }
0xad: {  	[sflag:s19] =	ssyncadd.s32 $0xFFFFFFC0  }
0xae: {  	v3 =	vld [tilespmem:$0x40];
	_ =	sdelay $0x4  }
0xaf: {  	v52 =	vshrl.u32 v3, $0x3  }
0xb0: {  	v4 =	vmul.u32 $0x30, v52  }
0xb1: {  	v3 =	vand.u32 $0x7, v3  }
0xb2: {  	v3 =	vor.u32 v3, v4  }
0xb3: {  	v4 =	vperm.xlane v3, v0;
	_ =	sdelay $0x1  }
0xb4: {  	v4 =	vadd.s32 v1, v4;
	_ =	sdelay $0x3  }
0xb5: {  	v3 =	vperm.xlane v3, v2  }
0xb6: {  	[tilespmem:s29], [sflag:$0x1] =	stream.indirect_vreg.gather [hbm4b:s1+s3], $0x80, v4, vm0, $0xb8;
	[tilespmem:$0x1E100] =	vst v63  }
0xb7: {  	v3 =	vadd.s32 v1, v3  }
0xb8: {  	[tilespmem:s6], [sflag:$0x1] =	stream.indirect_vreg.gather [hbm4b:s8+s3], $0x80, v4, vm0, $0xb8;
	[tilespmem:$0x1E100] =	vst v63  }
0xb9: {  	_ = 	snop  }
0xba: {  	[tilespmem:s10], [sflag:$0x1] =	stream.indirect_vreg.gather [hbm4b:s9+s3], $0x80, v4, vm0, $0xb8;
	[tilespmem:$0x1E100] =	vst v63  }
0xbb: {  	_ = 	snop  }
0xbc: {  	[tilespmem:s22], [sflag:$0x1] =	stream.indirect_vreg.gather [hbm4b:s1+s3], $0x80, v3, vm0, $0xb8;
	[tilespmem:$0x1E100] =	vst v63  }
0xbd: {  	_ = 	snop  }
0xbe: {  	[tilespmem:s23], [sflag:$0x1] =	stream.indirect_vreg.gather [hbm4b:s8+s3], $0x80, v3, vm0, $0xb8;
	[tilespmem:$0x1E100] =	vst v63  }
0xbf: {  	_ = 	snop  }
0xc0: {  	[tilespmem:s24], [sflag:$0x1] =	stream.indirect_vreg.gather [hbm4b:s9+s3], $0x80, v3, vm0, $0xb8;
	[tilespmem:$0x1E100] =	vst v63  }
0xc1: {  	_ =	swait.ge [sflag:s28], $0x3000  }
0xc2: {  	[sflag:s28] =	ssyncset.done $0x0  }
0xc3: {  	s12 =	rddreg [dreg:$0xd];
	[sflag:s28] =	ssyncadd.s32 $0xFFFFD000  }
0xc4: {  	[hbm4b:s12+s3] =	stream.linear.scatter [tilespmem:s15], [sflag:$0x3], $0x3000, $0x38;
	[tilespmem:$0x1E100] =	vst v63  }
0xc5: {  	_ =	swait.ge [sflag:s30], $0x3000  }
0xc6: {  	s12 =	sld [smem:$0x7FC]  }
0xc7: {  	[sflag:s30] =	ssyncset.done $0x0  }
0xc8: {  	[sflag:s30] =	ssyncadd.s32 $0xFFFFD000  }
0xc9: {  	[tilespmem:s14], [sflag:$0x2] =	stream.linear.gather [spmem:s12], $0x3000, $0x38;
	[tilespmem:$0x1E100] =	vst v63  }
0xca: {  	_ =	swait.ge [sflag:s18], $0x3000  }
0xcb: {  	[sflag:s18] =	ssyncset.done $0x0  }
0xcc: {  	[sflag:s18] =	ssyncadd.s32 $0xFFFFD000  }
0xcd: {  	v3 =	vld [tilespmem:$0x50];
	_ =	sdelay $0x4  }
0xce: {  	v53 =	vshrl.u32 v3, $0x3  }
0xcf: {  	v4 =	vmul.u32 $0x30, v53  }
0xd0: {  	v3 =	vand.u32 $0x7, v3  }
0xd1: {  	v3 =	vor.u32 v3, v4  }
0xd2: {  	v4 =	vperm.xlane v3, v0;
	_ =	sdelay $0x1  }
0xd3: {  	v4 =	vadd.s32 v1, v4;
	_ =	sdelay $0x3  }
0xd4: {  	v3 =	vperm.xlane v3, v2  }
0xd5: {  	[tilespmem:s2], [sflag:$0x1] =	stream.indirect_vreg.gather [hbm4b:s1+s3], $0x80, v4, vm0, $0xb8;
	[tilespmem:$0x1E100] =	vst v63  }
0xd6: {  	v3 =	vadd.s32 v1, v3  }
0xd7: {  	[tilespmem:s25], [sflag:$0x1] =	stream.indirect_vreg.gather [hbm4b:s8+s3], $0x80, v4, vm0, $0xb8;
	[tilespmem:$0x1E100] =	vst v63  }
0xd8: {  	_ = 	snop  }
0xd9: {  	[tilespmem:s26], [sflag:$0x1] =	stream.indirect_vreg.gather [hbm4b:s9+s3], $0x80, v4, vm0, $0xb8;
	[tilespmem:$0x1E100] =	vst v63  }
0xda: {  	s4 =	simm.s32 $0x1C900  }
0xdb: {  	[tilespmem:s4], [sflag:$0x1] =	stream.indirect_vreg.gather [hbm4b:s1+s3], $0x80, v3, vm0, $0xb8;
	[tilespmem:$0x1E100] =	vst v63  }
0xdc: {  	_ = 	snop  }
0xdd: {  	[tilespmem:s5], [sflag:$0x1] =	stream.indirect_vreg.gather [hbm4b:s8+s3], $0x80, v3, vm0, $0xb8;
	[tilespmem:$0x1E100] =	vst v63  }
0xde: {  	_ = 	snop  }
0xdf: {  	[tilespmem:s7], [sflag:$0x1] =	stream.indirect_vreg.gather [hbm4b:s9+s3], $0x80, v3, vm0, $0xb8;
	[tilespmem:$0x1E100] =	vst v63  }
0xe0: {  	_ =	swait.ge [sflag:s28], $0x3000  }
0xe1: {  	[sflag:s28] =	ssyncset.done $0x0  }
0xe2: {  	s21 =	rddreg [dreg:$0xe];
	[sflag:s28] =	ssyncadd.s32 $0xFFFFD000  }
0xe3: {  	[hbm4b:s21+s3] =	stream.linear.scatter [tilespmem:s16], [sflag:$0x3], $0x3000, $0x38;
	[tilespmem:$0x1E100] =	vst v63  }
0xe4: {  	_ =	swait.ge [sflag:s30], $0x3000  }
0xe5: {  	s21 =	sld [smem:$0x7FD]  }
0xe6: {  	[sflag:s30] =	ssyncset.done $0x0  }
0xe7: {  	[sflag:s30] =	ssyncadd.s32 $0xFFFFD000  }
0xe8: {  	[tilespmem:s15], [sflag:$0x2] =	stream.linear.gather [spmem:s21], $0x3000, $0x38;
	[tilespmem:$0x1E100] =	vst v63  }
0xe9: {  	_ =	swait.ge [sflag:s18], $0x3000  }
0xea: {  	[sflag:s18] =	ssyncset.done $0x0  }
0xeb: {  	[sflag:s18] =	ssyncadd.s32 $0xFFFFD000  }
0xec: {  	v3 =	vld [tilespmem:$0x60];
	_ =	sdelay $0x4  }
0xed: {  	v54 =	vshrl.u32 v3, $0x3  }
0xee: {  	v4 =	vmul.u32 $0x30, v54  }
0xef: {  	v3 =	vand.u32 $0x7, v3  }
0xf0: {  	v3 =	vor.u32 v3, v4  }
0xf1: {  	v4 =	vperm.xlane v3, v0;
	_ =	sdelay $0x1  }
0xf2: {  	v4 =	vadd.s32 v1, v4;
	_ =	sdelay $0x3  }
0xf3: {  	v3 =	vperm.xlane v3, v2  }
0xf4: {  	[tilespmem:s14], [sflag:$0x1] =	stream.indirect_vreg.gather [hbm4b:s1+s3], $0x80, v4, vm0, $0xb8;
	[tilespmem:$0x1E100] =	vst v63  }
0xf5: {  	s0 =	simm.s32 $0xC900;
	v3 =	vadd.s32 v1, v3  }
0xf6: {  	[tilespmem:s0], [sflag:$0x1] =	stream.indirect_vreg.gather [hbm4b:s8+s3], $0x80, v4, vm0, $0xb8;
	[tilespmem:$0x1E100] =	vst v63  }
0xf7: {  	s0 =	simm.s32 $0xD100  }
0xf8: {  	[tilespmem:s0], [sflag:$0x1] =	stream.indirect_vreg.gather [hbm4b:s9+s3], $0x80, v4, vm0, $0xb8;
	[tilespmem:$0x1E100] =	vst v63  }
0xf9: {  	s0 =	simm.s32 $0xD900  }
0xfa: {  	[tilespmem:s0], [sflag:$0x1] =	stream.indirect_vreg.gather [hbm4b:s1+s3], $0x80, v3, vm0, $0xb8;
	[tilespmem:$0x1E100] =	vst v63  }
0xfb: {  	s0 =	simm.s32 $0xE100  }
0xfc: {  	[tilespmem:s0], [sflag:$0x1] =	stream.indirect_vreg.gather [hbm4b:s8+s3], $0x80, v3, vm0, $0xb8;
	[tilespmem:$0x1E100] =	vst v63  }
0xfd: {  	s31 =	simm.s32 $0xE900  }
0xfe: {  	[tilespmem:s31], [sflag:$0x1] =	stream.indirect_vreg.gather [hbm4b:s9+s3], $0x80, v3, vm0, $0xb8;
	[tilespmem:$0x1E100] =	vst v63  }
0xff: {  	_ =	swait.ge [sflag:s28], $0x3000  }
0x100: {  	[sflag:s28] =	ssyncset.done $0x0  }
0x101: {  	s31 =	rddreg [dreg:$0xf];
	[sflag:s28] =	ssyncadd.s32 $0xFFFFD000  }
0x102: {  	[hbm4b:s31+s3] =	stream.linear.scatter [tilespmem:s17], [sflag:$0x3], $0x3000, $0x38;
	[tilespmem:$0x1E100] =	vst v63  }
0x103: {  	_ =	swait.ge [sflag:s30], $0x3000  }
0x104: {  	[sflag:s30] =	ssyncset.done $0x0  }
0x105: {  	[sflag:s30] =	ssyncadd.s32 $0xFFFFD000  }
0x106: {  	[tilespmem:s16], [sflag:$0x2] =	stream.linear.gather [spmem:s20], $0x3000, $0x38;
	[tilespmem:$0x1E100] =	vst v63  }
0x107: {  	_ =	swait.ge [sflag:s18], $0x3000  }
0x108: {  	[sflag:s18] =	ssyncset.done $0x0  }
0x109: {  	[sflag:s18] =	ssyncadd.s32 $0xFFFFD000  }
0x10a: {  	v3 =	vld [tilespmem:$0x70];
	_ =	sdelay $0x4  }
0x10b: {  	v55 =	vshrl.u32 v3, $0x3  }
0x10c: {  	v4 =	vmul.u32 $0x30, v55  }
0x10d: {  	v3 =	vand.u32 $0x7, v3  }
0x10e: {  	v3 =	vor.u32 v3, v4  }
0x10f: {  	v4 =	vperm.xlane v3, v0;
	_ =	sdelay $0x1  }
0x110: {  	v4 =	vadd.s32 v1, v4;
	_ =	sdelay $0x3  }
0x111: {  	v3 =	vperm.xlane v3, v2  }
0x112: {  	[tilespmem:s15], [sflag:$0x1] =	stream.indirect_vreg.gather [hbm4b:s1+s3], $0x80, v4, vm0, $0xb8;
	[tilespmem:$0x1E100] =	vst v63  }
0x113: {  	s31 =	simm.s32 $0xF900;
	v3 =	vadd.s32 v1, v3  }
0x114: {  	[tilespmem:s31], [sflag:$0x1] =	stream.indirect_vreg.gather [hbm4b:s8+s3], $0x80, v4, vm0, $0xb8;
	[tilespmem:$0x1E100] =	vst v63  }
0x115: {  	s0 =	simm.s32 $0x10100  }
0x116: {  	[tilespmem:s0], [sflag:$0x1] =	stream.indirect_vreg.gather [hbm4b:s9+s3], $0x80, v4, vm0, $0xb8;
	[tilespmem:$0x1E100] =	vst v63  }
0x117: {  	s0 =	simm.s32 $0x10900  }
0x118: {  	[tilespmem:s0], [sflag:$0x1] =	stream.indirect_vreg.gather [hbm4b:s1+s3], $0x80, v3, vm0, $0xb8;
	[tilespmem:$0x1E100] =	vst v63  }
0x119: {  	s0 =	simm.s32 $0x11100  }
0x11a: {  	[tilespmem:s0], [sflag:$0x1] =	stream.indirect_vreg.gather [hbm4b:s8+s3], $0x80, v3, vm0, $0xb8;
	[tilespmem:$0x1E100] =	vst v63  }
0x11b: {  	s0 =	simm.s32 $0x11900  }
0x11c: {  	[tilespmem:s0], [sflag:$0x1] =	stream.indirect_vreg.gather [hbm4b:s9+s3], $0x80, v3, vm0, $0xb8;
	[tilespmem:$0x1E100] =	vst v63  }
0x11d: {  	_ =	swait.ge [sflag:s28], $0x3000  }
0x11e: {  	[sflag:s28] =	ssyncset.done $0x0  }
0x11f: {  	s0 =	rddreg [dreg:$0x10];
	[sflag:s28] =	ssyncadd.s32 $0xFFFFD000  }
0x120: {  	[hbm4b:s0+s3] =	stream.linear.scatter [tilespmem:s29], [sflag:$0x3], $0x3000, $0x38;
	[tilespmem:$0x1E100] =	vst v63  }
0x121: {  	_ =	swait.ge [sflag:s30], $0x3000  }
0x122: {  	[sflag:s30] =	ssyncset.done $0x0  }
0x123: {  	[sflag:s30] =	ssyncadd.s32 $0xFFFFD000  }
0x124: {  	[tilespmem:s17], [sflag:$0x2] =	stream.linear.gather [spmem:s11], $0x3000, $0x38;
	[tilespmem:$0x1E100] =	vst v63  }
0x125: {  	_ =	swait.ge [sflag:s18], $0x3000  }
0x126: {  	[sflag:s18] =	ssyncset.done $0x0  }
0x127: {  	[sflag:s18] =	ssyncadd.s32 $0xFFFFD000  }
0x128: {  	_ =	swait.ge [sflag:s19], $0x40  }
0x129: {  	[sflag:s19] =	ssyncset.done $0x0  }
0x12a: {  	[sflag:s19] =	ssyncadd.s32 $0xFFFFFFC0  }
0x12b: {  	v3 =	vld [tilespmem:$0x80];
	_ =	sdelay $0x4  }
0x12c: {  	v56 =	vshrl.u32 v3, $0x3  }
0x12d: {  	v4 =	vmul.u32 $0x30, v56  }
0x12e: {  	v3 =	vand.u32 $0x7, v3  }
0x12f: {  	v3 =	vor.u32 v3, v4  }
0x130: {  	v4 =	vperm.xlane v3, v0;
	_ =	sdelay $0x1  }
0x131: {  	v4 =	vadd.s32 v1, v4;
	_ =	sdelay $0x3  }
0x132: {  	v3 =	vperm.xlane v3, v2  }
0x133: {  	[tilespmem:s16], [sflag:$0x1] =	stream.indirect_vreg.gather [hbm4b:s1+s3], $0x80, v4, vm0, $0xb8;
	[tilespmem:$0x1E100] =	vst v63  }
0x134: {  	s0 =	simm.s32 $0x12900;
	v3 =	vadd.s32 v1, v3  }
0x135: {  	[tilespmem:s0], [sflag:$0x1] =	stream.indirect_vreg.gather [hbm4b:s8+s3], $0x80, v4, vm0, $0xb8;
	[tilespmem:$0x1E100] =	vst v63  }
0x136: {  	s0 =	simm.s32 $0x13100  }
0x137: {  	[tilespmem:s0], [sflag:$0x1] =	stream.indirect_vreg.gather [hbm4b:s9+s3], $0x80, v4, vm0, $0xb8;
	[tilespmem:$0x1E100] =	vst v63  }
0x138: {  	s0 =	simm.s32 $0x13900  }
0x139: {  	[tilespmem:s0], [sflag:$0x1] =	stream.indirect_vreg.gather [hbm4b:s1+s3], $0x80, v3, vm0, $0xb8;
	[tilespmem:$0x1E100] =	vst v63  }
0x13a: {  	s0 =	simm.s32 $0x14100  }
0x13b: {  	[tilespmem:s0], [sflag:$0x1] =	stream.indirect_vreg.gather [hbm4b:s8+s3], $0x80, v3, vm0, $0xb8;
	[tilespmem:$0x1E100] =	vst v63  }
0x13c: {  	s0 =	simm.s32 $0x14900  }
0x13d: {  	[tilespmem:s0], [sflag:$0x1] =	stream.indirect_vreg.gather [hbm4b:s9+s3], $0x80, v3, vm0, $0xb8;
	[tilespmem:$0x1E100] =	vst v63  }
0x13e: {  	_ =	swait.ge [sflag:s28], $0x3000  }
0x13f: {  	[sflag:s28] =	ssyncset.done $0x0  }
0x140: {  	s0 =	rddreg [dreg:$0x11];
	[sflag:s28] =	ssyncadd.s32 $0xFFFFD000  }
0x141: {  	[hbm4b:s0+s3] =	stream.linear.scatter [tilespmem:s2], [sflag:$0x3], $0x3000, $0x38;
	[tilespmem:$0x1E100] =	vst v63  }
0x142: {  	_ =	swait.ge [sflag:s30], $0x3000  }
0x143: {  	[sflag:s30] =	ssyncset.done $0x0  }
0x144: {  	[sflag:s30] =	ssyncadd.s32 $0xFFFFD000  }
0x145: {  	[tilespmem:s29], [sflag:$0x2] =	stream.linear.gather [spmem:s12], $0x3000, $0x38;
	[tilespmem:$0x1E100] =	vst v63  }
0x146: {  	_ =	swait.ge [sflag:s18], $0x3000  }
0x147: {  	[sflag:s18] =	ssyncset.done $0x0  }
0x148: {  	[sflag:s18] =	ssyncadd.s32 $0xFFFFD000  }
0x149: {  	v3 =	vld [tilespmem:$0x90];
	_ =	sdelay $0x4  }
0x14a: {  	v57 =	vshrl.u32 v3, $0x3  }
0x14b: {  	v4 =	vmul.u32 $0x30, v57  }
0x14c: {  	v3 =	vand.u32 $0x7, v3  }
0x14d: {  	v3 =	vor.u32 v3, v4  }
0x14e: {  	v4 =	vperm.xlane v3, v0;
	_ =	sdelay $0x1  }
0x14f: {  	v4 =	vadd.s32 v1, v4;
	_ =	sdelay $0x3  }
0x150: {  	v3 =	vperm.xlane v3, v2  }
0x151: {  	[tilespmem:s17], [sflag:$0x1] =	stream.indirect_vreg.gather [hbm4b:s1+s3], $0x80, v4, vm0, $0xb8;
	[tilespmem:$0x1E100] =	vst v63  }
0x152: {  	s0 =	simm.s32 $0x15900;
	v3 =	vadd.s32 v1, v3  }
0x153: {  	[tilespmem:s0], [sflag:$0x1] =	stream.indirect_vreg.gather [hbm4b:s8+s3], $0x80, v4, vm0, $0xb8;
	[tilespmem:$0x1E100] =	vst v63  }
0x154: {  	s0 =	simm.s32 $0x16100  }
0x155: {  	[tilespmem:s0], [sflag:$0x1] =	stream.indirect_vreg.gather [hbm4b:s9+s3], $0x80, v4, vm0, $0xb8;
	[tilespmem:$0x1E100] =	vst v63  }
0x156: {  	s0 =	simm.s32 $0x16900  }
0x157: {  	[tilespmem:s0], [sflag:$0x1] =	stream.indirect_vreg.gather [hbm4b:s1+s3], $0x80, v3, vm0, $0xb8;
	[tilespmem:$0x1E100] =	vst v63  }
0x158: {  	s0 =	simm.s32 $0x17100  }
0x159: {  	[tilespmem:s0], [sflag:$0x1] =	stream.indirect_vreg.gather [hbm4b:s8+s3], $0x80, v3, vm0, $0xb8;
	[tilespmem:$0x1E100] =	vst v63  }
0x15a: {  	s0 =	simm.s32 $0x17900  }
0x15b: {  	[tilespmem:s0], [sflag:$0x1] =	stream.indirect_vreg.gather [hbm4b:s9+s3], $0x80, v3, vm0, $0xb8;
	[tilespmem:$0x1E100] =	vst v63  }
0x15c: {  	_ =	swait.ge [sflag:s28], $0x3000  }
0x15d: {  	[sflag:s28] =	ssyncset.done $0x0  }
0x15e: {  	s0 =	rddreg [dreg:$0x12];
	[sflag:s28] =	ssyncadd.s32 $0xFFFFD000  }
0x15f: {  	[hbm4b:s0+s3] =	stream.linear.scatter [tilespmem:s14], [sflag:$0x3], $0x3000, $0x38;
	[tilespmem:$0x1E100] =	vst v63  }
0x160: {  	_ =	swait.ge [sflag:s30], $0x3000  }
0x161: {  	[sflag:s30] =	ssyncset.done $0x0  }
0x162: {  	[sflag:s30] =	ssyncadd.s32 $0xFFFFD000  }
0x163: {  	[tilespmem:s2], [sflag:$0x2] =	stream.linear.gather [spmem:s21], $0x3000, $0x38;
	[tilespmem:$0x1E100] =	vst v63  }
0x164: {  	_ =	swait.ge [sflag:s18], $0x3000  }
0x165: {  	[sflag:s18] =	ssyncset.done $0x0  }
0x166: {  	[sflag:s18] =	ssyncadd.s32 $0xFFFFD000  }
0x167: {  	v3 =	vld [tilespmem:$0xA0];
	_ =	sdelay $0x4  }
0x168: {  	v58 =	vshrl.u32 v3, $0x3  }
0x169: {  	v4 =	vmul.u32 $0x30, v58  }
0x16a: {  	v3 =	vand.u32 $0x7, v3  }
0x16b: {  	v3 =	vor.u32 v3, v4  }
0x16c: {  	v4 =	vperm.xlane v3, v0;
	_ =	sdelay $0x1  }
0x16d: {  	v4 =	vadd.s32 v1, v4;
	_ =	sdelay $0x3  }
0x16e: {  	v3 =	vperm.xlane v3, v2  }
0x16f: {  	[tilespmem:s29], [sflag:$0x1] =	stream.indirect_vreg.gather [hbm4b:s1+s3], $0x80, v4, vm0, $0xb8;
	[tilespmem:$0x1E100] =	vst v63  }
0x170: {  	v3 =	vadd.s32 v1, v3  }
0x171: {  	[tilespmem:s6], [sflag:$0x1] =	stream.indirect_vreg.gather [hbm4b:s8+s3], $0x80, v4, vm0, $0xb8;
	[tilespmem:$0x1E100] =	vst v63  }
0x172: {  	_ = 	snop  }
0x173: {  	[tilespmem:s10], [sflag:$0x1] =	stream.indirect_vreg.gather [hbm4b:s9+s3], $0x80, v4, vm0, $0xb8;
	[tilespmem:$0x1E100] =	vst v63  }
0x174: {  	_ = 	snop  }
0x175: {  	[tilespmem:s22], [sflag:$0x1] =	stream.indirect_vreg.gather [hbm4b:s1+s3], $0x80, v3, vm0, $0xb8;
	[tilespmem:$0x1E100] =	vst v63  }
0x176: {  	_ = 	snop  }
0x177: {  	[tilespmem:s23], [sflag:$0x1] =	stream.indirect_vreg.gather [hbm4b:s8+s3], $0x80, v3, vm0, $0xb8;
	[tilespmem:$0x1E100] =	vst v63  }
0x178: {  	_ = 	snop  }
0x179: {  	[tilespmem:s24], [sflag:$0x1] =	stream.indirect_vreg.gather [hbm4b:s9+s3], $0x80, v3, vm0, $0xb8;
	[tilespmem:$0x1E100] =	vst v63  }
0x17a: {  	_ =	swait.ge [sflag:s28], $0x3000  }
0x17b: {  	[sflag:s28] =	ssyncset.done $0x0  }
0x17c: {  	s0 =	rddreg [dreg:$0x13];
	[sflag:s28] =	ssyncadd.s32 $0xFFFFD000  }
0x17d: {  	[hbm4b:s0+s3] =	stream.linear.scatter [tilespmem:s15], [sflag:$0x3], $0x3000, $0x38;
	[tilespmem:$0x1E100] =	vst v63  }
0x17e: {  	_ =	swait.ge [sflag:s30], $0x3000  }
0x17f: {  	[sflag:s30] =	ssyncset.done $0x0  }
0x180: {  	[sflag:s30] =	ssyncadd.s32 $0xFFFFD000  }
0x181: {  	[tilespmem:s14], [sflag:$0x2] =	stream.linear.gather [spmem:s20], $0x3000, $0x38;
	[tilespmem:$0x1E100] =	vst v63  }
0x182: {  	_ =	swait.ge [sflag:s18], $0x3000  }
0x183: {  	[sflag:s18] =	ssyncset.done $0x0  }
0x184: {  	[sflag:s18] =	ssyncadd.s32 $0xFFFFD000  }
0x185: {  	v3 =	vld [tilespmem:$0xB0];
	_ =	sdelay $0x4  }
0x186: {  	v59 =	vshrl.u32 v3, $0x3  }
0x187: {  	v4 =	vmul.u32 $0x30, v59  }
0x188: {  	v3 =	vand.u32 $0x7, v3  }
0x189: {  	v3 =	vor.u32 v3, v4  }
0x18a: {  	v4 =	vperm.xlane v3, v0;
	_ =	sdelay $0x1  }
0x18b: {  	v4 =	vadd.s32 v1, v4;
	_ =	sdelay $0x3  }
0x18c: {  	v3 =	vperm.xlane v3, v2  }
0x18d: {  	[tilespmem:s2], [sflag:$0x1] =	stream.indirect_vreg.gather [hbm4b:s1+s3], $0x80, v4, vm0, $0xb8;
	[tilespmem:$0x1E100] =	vst v63  }
0x18e: {  	v3 =	vadd.s32 v1, v3  }
0x18f: {  	[tilespmem:s25], [sflag:$0x1] =	stream.indirect_vreg.gather [hbm4b:s8+s3], $0x80, v4, vm0, $0xb8;
	[tilespmem:$0x1E100] =	vst v63  }
0x190: {  	_ = 	snop  }
0x191: {  	[tilespmem:s26], [sflag:$0x1] =	stream.indirect_vreg.gather [hbm4b:s9+s3], $0x80, v4, vm0, $0xb8;
	[tilespmem:$0x1E100] =	vst v63  }
0x192: {  	_ = 	snop  }
0x193: {  	[tilespmem:s4], [sflag:$0x1] =	stream.indirect_vreg.gather [hbm4b:s1+s3], $0x80, v3, vm0, $0xb8;
	[tilespmem:$0x1E100] =	vst v63  }
0x194: {  	_ = 	snop  }
0x195: {  	[tilespmem:s5], [sflag:$0x1] =	stream.indirect_vreg.gather [hbm4b:s8+s3], $0x80, v3, vm0, $0xb8;
	[tilespmem:$0x1E100] =	vst v63  }
0x196: {  	_ = 	snop  }
0x197: {  	[tilespmem:s7], [sflag:$0x1] =	stream.indirect_vreg.gather [hbm4b:s9+s3], $0x80, v3, vm0, $0xb8;
	[tilespmem:$0x1E100] =	vst v63  }
0x198: {  	_ =	swait.ge [sflag:s28], $0x3000  }
0x199: {  	[sflag:s28] =	ssyncset.done $0x0  }
0x19a: {  	s4 =	rddreg [dreg:$0x14];
	[sflag:s28] =	ssyncadd.s32 $0xFFFFD000  }
0x19b: {  	[hbm4b:s4+s3] =	stream.linear.scatter [tilespmem:s16], [sflag:$0x3], $0x3000, $0x38;
	[tilespmem:$0x1E100] =	vst v63  }
0x19c: {  	_ =	swait.ge [sflag:s30], $0x3000  }
0x19d: {  	[sflag:s30] =	ssyncset.done $0x0  }
0x19e: {  	[sflag:s30] =	ssyncadd.s32 $0xFFFFD000  }
0x19f: {  	[tilespmem:s15], [sflag:$0x2] =	stream.linear.gather [spmem:s11], $0x3000, $0x38;
	[tilespmem:$0x1E100] =	vst v63  }
0x1a0: {  	_ =	swait.ge [sflag:s18], $0x3000  }
0x1a1: {  	[sflag:s18] =	ssyncset.done $0x0  }
0x1a2: {  	[sflag:s18] =	ssyncadd.s32 $0xFFFFD000  }
0x1a3: {  	_ =	swait.ge [sflag:s19], $0x40  }
0x1a4: {  	[sflag:s19] =	ssyncset.done $0x0  }
0x1a5: {  	[sflag:s19] =	ssyncadd.s32 $0xFFFFFFC0  }
0x1a6: {  	v3 =	vld [tilespmem:$0xC0];
	_ =	sdelay $0x4  }
0x1a7: {  	v60 =	vshrl.u32 v3, $0x3  }
0x1a8: {  	v4 =	vmul.u32 $0x30, v60  }
0x1a9: {  	v3 =	vand.u32 $0x7, v3  }
0x1aa: {  	v3 =	vor.u32 v3, v4  }
0x1ab: {  	v4 =	vperm.xlane v3, v0;
	_ =	sdelay $0x1  }
0x1ac: {  	v4 =	vadd.s32 v1, v4;
	_ =	sdelay $0x3  }
0x1ad: {  	v3 =	vperm.xlane v3, v2  }
0x1ae: {  	[tilespmem:s14], [sflag:$0x1] =	stream.indirect_vreg.gather [hbm4b:s1+s3], $0x80, v4, vm0, $0xb8;
	[tilespmem:$0x1E100] =	vst v63  }
0x1af: {  	s4 =	simm.s32 $0xC900;
	v3 =	vadd.s32 v1, v3  }
0x1b0: {  	[tilespmem:s4], [sflag:$0x1] =	stream.indirect_vreg.gather [hbm4b:s8+s3], $0x80, v4, vm0, $0xb8;
	[tilespmem:$0x1E100] =	vst v63  }
0x1b1: {  	s11 =	simm.s32 $0xD100  }
0x1b2: {  	[tilespmem:s11], [sflag:$0x1] =	stream.indirect_vreg.gather [hbm4b:s9+s3], $0x80, v4, vm0, $0xb8;
	[tilespmem:$0x1E100] =	vst v63  }
0x1b3: {  	s4 =	simm.s32 $0xD900  }
0x1b4: {  	[tilespmem:s4], [sflag:$0x1] =	stream.indirect_vreg.gather [hbm4b:s1+s3], $0x80, v3, vm0, $0xb8;
	[tilespmem:$0x1E100] =	vst v63  }
0x1b5: {  	s11 =	simm.s32 $0xE100  }
0x1b6: {  	[tilespmem:s11], [sflag:$0x1] =	stream.indirect_vreg.gather [hbm4b:s8+s3], $0x80, v3, vm0, $0xb8;
	[tilespmem:$0x1E100] =	vst v63  }
0x1b7: {  	s4 =	simm.s32 $0xE900  }
0x1b8: {  	[tilespmem:s4], [sflag:$0x1] =	stream.indirect_vreg.gather [hbm4b:s9+s3], $0x80, v3, vm0, $0xb8;
	[tilespmem:$0x1E100] =	vst v63  }
0x1b9: {  	_ =	swait.ge [sflag:s28], $0x3000  }
0x1ba: {  	[sflag:s28] =	ssyncset.done $0x0  }
0x1bb: {  	s11 =	rddreg [dreg:$0x15];
	[sflag:s28] =	ssyncadd.s32 $0xFFFFD000  }
0x1bc: {  	[hbm4b:s11+s3] =	stream.linear.scatter [tilespmem:s17], [sflag:$0x3], $0x3000, $0x38;
	[tilespmem:$0x1E100] =	vst v63  }
0x1bd: {  	_ =	swait.ge [sflag:s30], $0x3000  }
0x1be: {  	[sflag:s30] =	ssyncset.done $0x0  }
0x1bf: {  	[sflag:s30] =	ssyncadd.s32 $0xFFFFD000  }
0x1c0: {  	[tilespmem:s16], [sflag:$0x2] =	stream.linear.gather [spmem:s12], $0x3000, $0x38;
	[tilespmem:$0x1E100] =	vst v63  }
0x1c1: {  	_ =	swait.ge [sflag:s18], $0x3000  }
0x1c2: {  	[sflag:s18] =	ssyncset.done $0x0  }
0x1c3: {  	[sflag:s18] =	ssyncadd.s32 $0xFFFFD000  }
0x1c4: {  	v3 =	vld [tilespmem:$0xD0];
	_ =	sdelay $0x4  }
0x1c5: {  	v61 =	vshrl.u32 v3, $0x3  }
0x1c6: {  	v4 =	vmul.u32 $0x30, v61  }
0x1c7: {  	v3 =	vand.u32 $0x7, v3  }
0x1c8: {  	v3 =	vor.u32 v3, v4  }
0x1c9: {  	v4 =	vperm.xlane v3, v0;
	_ =	sdelay $0x1  }
0x1ca: {  	v4 =	vadd.s32 v1, v4;
	_ =	sdelay $0x3  }
0x1cb: {  	v3 =	vperm.xlane v3, v2  }
0x1cc: {  	[tilespmem:s15], [sflag:$0x1] =	stream.indirect_vreg.gather [hbm4b:s1+s3], $0x80, v4, vm0, $0xb8;
	[tilespmem:$0x1E100] =	vst v63  }
0x1cd: {  	s31 =	simm.s32 $0xF900;
	v3 =	vadd.s32 v1, v3  }
0x1ce: {  	[tilespmem:s31], [sflag:$0x1] =	stream.indirect_vreg.gather [hbm4b:s8+s3], $0x80, v4, vm0, $0xb8;
	[tilespmem:$0x1E100] =	vst v63  }
0x1cf: {  	s4 =	simm.s32 $0x10100  }
0x1d0: {  	[tilespmem:s4], [sflag:$0x1] =	stream.indirect_vreg.gather [hbm4b:s9+s3], $0x80, v4, vm0, $0xb8;
	[tilespmem:$0x1E100] =	vst v63  }
0x1d1: {  	s11 =	simm.s32 $0x10900  }
0x1d2: {  	[tilespmem:s11], [sflag:$0x1] =	stream.indirect_vreg.gather [hbm4b:s1+s3], $0x80, v3, vm0, $0xb8;
	[tilespmem:$0x1E100] =	vst v63  }
0x1d3: {  	s12 =	simm.s32 $0x11100  }
0x1d4: {  	[tilespmem:s12], [sflag:$0x1] =	stream.indirect_vreg.gather [hbm4b:s8+s3], $0x80, v3, vm0, $0xb8;
	[tilespmem:$0x1E100] =	vst v63  }
0x1d5: {  	s31 =	simm.s32 $0x11900  }
0x1d6: {  	[tilespmem:s31], [sflag:$0x1] =	stream.indirect_vreg.gather [hbm4b:s9+s3], $0x80, v3, vm0, $0xb8;
	[tilespmem:$0x1E100] =	vst v63  }
0x1d7: {  	_ =	swait.ge [sflag:s28], $0x3000  }
0x1d8: {  	[sflag:s28] =	ssyncset.done $0x0  }
0x1d9: {  	s4 =	rddreg [dreg:$0x16];
	[sflag:s28] =	ssyncadd.s32 $0xFFFFD000  }
0x1da: {  	[hbm4b:s4+s3] =	stream.linear.scatter [tilespmem:s29], [sflag:$0x3], $0x3000, $0x38;
	[tilespmem:$0x1E100] =	vst v63  }
0x1db: {  	_ =	swait.ge [sflag:s30], $0x3000  }
0x1dc: {  	[sflag:s30] =	ssyncset.done $0x0  }
0x1dd: {  	[sflag:s30] =	ssyncadd.s32 $0xFFFFD000  }
0x1de: {  	[tilespmem:s17], [sflag:$0x2] =	stream.linear.gather [spmem:s21], $0x3000, $0x38;
	[tilespmem:$0x1E100] =	vst v63  }
0x1df: {  	_ =	swait.ge [sflag:s18], $0x3000  }
0x1e0: {  	[sflag:s18] =	ssyncset.done $0x0  }
0x1e1: {  	[sflag:s18] =	ssyncadd.s32 $0xFFFFD000  }
0x1e2: {  	v3 =	vld [tilespmem:$0xE0];
	_ =	sdelay $0x4  }
0x1e3: {  	v62 =	vshrl.u32 v3, $0x3  }
0x1e4: {  	v4 =	vmul.u32 $0x30, v62  }
0x1e5: {  	v3 =	vand.u32 $0x7, v3  }
0x1e6: {  	v3 =	vor.u32 v3, v4  }
0x1e7: {  	v4 =	vperm.xlane v3, v0;
	_ =	sdelay $0x1  }
0x1e8: {  	v4 =	vadd.s32 v1, v4;
	_ =	sdelay $0x3  }
0x1e9: {  	v3 =	vperm.xlane v3, v2  }
0x1ea: {  	[tilespmem:s16], [sflag:$0x1] =	stream.indirect_vreg.gather [hbm4b:s1+s3], $0x80, v4, vm0, $0xb8;
	[tilespmem:$0x1E100] =	vst v63  }
0x1eb: {  	s11 =	simm.s32 $0x12900;
	v3 =	vadd.s32 v1, v3  }
0x1ec: {  	[tilespmem:s11], [sflag:$0x1] =	stream.indirect_vreg.gather [hbm4b:s8+s3], $0x80, v4, vm0, $0xb8;
	[tilespmem:$0x1E100] =	vst v63  }
0x1ed: {  	s12 =	simm.s32 $0x13100  }
0x1ee: {  	[tilespmem:s12], [sflag:$0x1] =	stream.indirect_vreg.gather [hbm4b:s9+s3], $0x80, v4, vm0, $0xb8;
	[tilespmem:$0x1E100] =	vst v63  }
0x1ef: {  	s21 =	simm.s32 $0x13900  }
0x1f0: {  	[tilespmem:s21], [sflag:$0x1] =	stream.indirect_vreg.gather [hbm4b:s1+s3], $0x80, v3, vm0, $0xb8;
	[tilespmem:$0x1E100] =	vst v63  }
0x1f1: {  	s31 =	simm.s32 $0x14100  }
0x1f2: {  	[tilespmem:s31], [sflag:$0x1] =	stream.indirect_vreg.gather [hbm4b:s8+s3], $0x80, v3, vm0, $0xb8;
	[tilespmem:$0x1E100] =	vst v63  }
0x1f3: {  	s4 =	simm.s32 $0x14900  }
0x1f4: {  	[tilespmem:s4], [sflag:$0x1] =	stream.indirect_vreg.gather [hbm4b:s9+s3], $0x80, v3, vm0, $0xb8;
	[tilespmem:$0x1E100] =	vst v63  }
0x1f5: {  	_ =	swait.ge [sflag:s28], $0x3000  }
0x1f6: {  	[sflag:s28] =	ssyncset.done $0x0  }
0x1f7: {  	s11 =	rddreg [dreg:$0x17];
	[sflag:s28] =	ssyncadd.s32 $0xFFFFD000  }
0x1f8: {  	[hbm4b:s11+s3] =	stream.linear.scatter [tilespmem:s2], [sflag:$0x3], $0x3000, $0x38;
	[tilespmem:$0x1E100] =	vst v63  }
0x1f9: {  	_ =	swait.ge [sflag:s18], $0x3000  }
0x1fa: {  	[sflag:s18] =	ssyncset.done $0x0  }
0x1fb: {  	[sflag:s18] =	ssyncadd.s32 $0xFFFFD000  }
0x1fc: {  	v3 =	vld [tilespmem:$0xF0];
	_ =	sdelay $0x4  }
0x1fd: {  	v63 =	vshrl.u32 v3, $0x3  }
0x1fe: {  	v4 =	vmul.u32 $0x30, v63  }
0x1ff: {  	v3 =	vand.u32 $0x7, v3  }
0x200: {  	v3 =	vor.u32 v3, v4  }
0x201: {  	v4 =	vperm.xlane v3, v0;
	_ =	sdelay $0x1  }
0x202: {  	v4 =	vadd.s32 v1, v4;
	_ =	sdelay $0x3  }
0x203: {  	v3 =	vperm.xlane v3, v2  }
0x204: {  	[tilespmem:s17], [sflag:$0x1] =	stream.indirect_vreg.gather [hbm4b:s1+s3], $0x80, v4, vm0, $0xb8;
	[tilespmem:$0x1E100] =	vst v63  }
0x205: {  	s12 =	simm.s32 $0x15900;
	v3 =	vadd.s32 v1, v3  }
0x206: {  	[tilespmem:s12], [sflag:$0x1] =	stream.indirect_vreg.gather [hbm4b:s8+s3], $0x80, v4, vm0, $0xb8;
	[tilespmem:$0x1E100] =	vst v63  }
0x207: {  	s21 =	simm.s32 $0x16100  }
0x208: {  	[tilespmem:s21], [sflag:$0x1] =	stream.indirect_vreg.gather [hbm4b:s9+s3], $0x80, v4, vm0, $0xb8;
	[tilespmem:$0x1E100] =	vst v63  }
0x209: {  	s31 =	simm.s32 $0x16900  }
0x20a: {  	[tilespmem:s31], [sflag:$0x1] =	stream.indirect_vreg.gather [hbm4b:s1+s3], $0x80, v3, vm0, $0xb8;
	[tilespmem:$0x1E100] =	vst v63  }
0x20b: {  	s2 =	simm.s32 $0x17100  }
0x20c: {  	[tilespmem:s2], [sflag:$0x1] =	stream.indirect_vreg.gather [hbm4b:s8+s3], $0x80, v3, vm0, $0xb8;
	[tilespmem:$0x1E100] =	vst v63  }
0x20d: {  	s4 =	simm.s32 $0x17900  }
0x20e: {  	[tilespmem:s4], [sflag:$0x1] =	stream.indirect_vreg.gather [hbm4b:s9+s3], $0x80, v3, vm0, $0xb8;
	[tilespmem:$0x1E100] =	vst v63  }
0x20f: {  	_ =	swait.ge [sflag:s28], $0x3000  }
0x210: {  	[sflag:s28] =	ssyncset.done $0x0  }
0x211: {  	s11 =	rddreg [dreg:$0x18];
	[sflag:s28] =	ssyncadd.s32 $0xFFFFD000  }
0x212: {  	[hbm4b:s11+s3] =	stream.linear.scatter [tilespmem:s14], [sflag:$0x3], $0x3000, $0x38;
	[tilespmem:$0x1E100] =	vst v63  }
0x213: {  	_ =	swait.ge [sflag:s28], $0x3000  }
0x214: {  	[sflag:s28] =	ssyncset.done $0x0  }
0x215: {  	s12 =	rddreg [dreg:$0x19];
	[sflag:s28] =	ssyncadd.s32 $0xFFFFD000  }
0x216: {  	[hbm4b:s12+s3] =	stream.linear.scatter [tilespmem:s15], [sflag:$0x3], $0x3000, $0x38;
	[tilespmem:$0x1E100] =	vst v63  }
0x217: {  	_ =	swait.ge [sflag:s28], $0x3000  }
0x218: {  	[sflag:s28] =	ssyncset.done $0x0  }
0x219: {  	s21 =	rddreg [dreg:$0x1a];
	[sflag:s28] =	ssyncadd.s32 $0xFFFFD000  }
0x21a: {  	[hbm4b:s21+s3] =	stream.linear.scatter [tilespmem:s16], [sflag:$0x3], $0x3000, $0x38;
	[tilespmem:$0x1E100] =	vst v63  }
0x21b: {  	_ =	swait.ge [sflag:s28], $0x3000  }
0x21c: {  	[sflag:s28] =	ssyncset.done $0x0  }
0x21d: {  	s31 =	rddreg [dreg:$0x1b];
	[sflag:s28] =	ssyncadd.s32 $0xFFFFD000  }
0x21e: {  	[hbm4b:s31+s3] =	stream.linear.scatter [tilespmem:s17], [sflag:$0x3], $0x3000, $0x38;
	[tilespmem:$0x1E100] =	vst v63  }
0x21f: {  	_ =	swait.ge [sflag:s30], $0x3000  }
0x220: {  	[sflag:s30] =	ssyncset.done $0x0  }
0x221: {  	[sflag:s30] =	ssyncadd.s32 $0xFFFFD000  }
0x222: {  	_ =	swait.ge [sflag:s30], $0x3000  }
0x223: {  	[sflag:s30] =	ssyncset.done $0x0  }
0x224: {  	[sflag:s30] =	ssyncadd.s32 $0xFFFFD000  }
0x225: {  	_ =	swait.ge [sflag:s30], $0x3000  }
0x226: {  	[sflag:s30] =	ssyncset.done $0x0  }
0x227: {  	[sflag:s30] =	ssyncadd.s32 $0xFFFFD000  }
0x228: {  	_ =	swait.ge [sflag:s30], $0x3000  }
0x229: {  	[sflag:s30] =	ssyncset.done $0x0  }
0x22a: {  	[sflag:s30] =	ssyncadd.s32 $0xFFFFD000  }
0x22b: {  	p0 =	sne.s32 s13, $0x1;
	_ =	swait.ge [sflag:s30], $0x3000  }
.Ltmp0:
0x22c: {  	[sflag:s30] =	ssyncset.done $0x0;
	(pc) =	sbr.rel @p0 .LBB2_1-.Ltmp0, $4  }
0x22d: {  	[sflag:s30] =	ssyncadd.s32 $0xFFFFD000  }
0x22e: {  	_ =	swait.ge [sflag:s30], $0x3000  }
0x22f: {  	[sflag:s30] =	ssyncset.done $0x0  }
0x230: {  	s13 =	sadd.s32 $0xFFFFFFFF, s13;
	[sflag:s30] =	ssyncadd.s32 $0xFFFFD000  }
0x231: {  	_ =	sfence.sel $0x180000  }
0x232: {  	[bflag:$0x0] =	sbarrier.arrive $0xFFFF  }
0x233: {  	_ =	strace $0x90000047  }
0x234: {  	s0 =	stileid.u32;
	[bflag:$0x2] =	sbarrier.arrive $0xFFFF  }
0x235: {  	p0 =	sne.s32 s0, $0x0;
	s0 =	rddreg [dreg:$0x5]  }
0x236: {  	s0 =	sadd.s32 @!p0 $0x100000, s0  }
0x237: {  	[sflag:s0] =	ssyncadd.tile.s32 @!p0 $0x1;
	_ =	shalt  }
.Lfunc_end2:
_tile_overlayer_lowered:
.L_overlay_start_2:
0x238: {  	(tag) =	ssettag $0x2  }
0x239: {  	s0 =	rddreg [dreg:$0x0];
	s2 =	stileid.u32  }
0x23a: {  	s1 =	rddreg [dreg:$0x1];
	p0 =	sne.s32 s2, $0x0  }
0x23b: {  	s3 =	rddreg [dreg:$0x2];
	[bflag:$0x3] =	sbarrier.arrive $0xFFFF;
	s2 =	simm.s32 @!p0 $0x1C06  }
0x23c: {  	[timem:s3], [sflag:s2] =	dma.local @!p0 [hbm:s0], s1  }
0x23d: {  	s0 =	simm.s32 @!p0 $0x6  }
0x23e: {  	_ =	swait.ge @!p0 [sflag:s0], s1  }
0x23f: {  	s1 =	ssub.s32 @!p0 $0x0, s1;
	[sflag:s0] =	ssyncset.done @!p0 $0x0  }
0x240: {  	[sflag:s0] =	ssyncadd.s32 @!p0 s1  }
0x241: {  	[bflag:$0x3] =	sbarrier.arrive $0xFFFF  }
0x242: {  	_ =	shalt  }

</sc_bundles>
